<compile_context>
chip_gen: v7x
topology: tpu7x:2x2x1
jax: 0.10.2.dev20260603
libtpu: 0.0.44.dev20260713+nightly
codegen_flags: <defaults>
</compile_context>

<pallas_src>
import functools

import jax
import jax.numpy as jnp
from jax import lax
from jax.experimental import pallas as pl
from jax.experimental.pallas import tpu as pltpu
from jax.experimental.pallas import tpu_sc as plsc

B, S = 4096, 50
SP = 56
D = 256
O = 64
TP = B * SP
NC, NS = 2, 16
NW = NC * NS
CHUNK = 128
T_PER_W = TP // NW
NCHUNK = T_PER_W // CHUNK


@functools.partial(
    pl.kernel,
    out_type=jax.ShapeDtypeStruct((TP, D // 2), jnp.uint32),
    mesh=plsc.VectorSubcoreMesh(core_axis_name="c", subcore_axis_name="s"),
    scratch_types=[
        pltpu.VMEM((T_PER_W,), jnp.int32),
        pltpu.VMEM((CHUNK, D), jnp.uint32),
        pltpu.VMEM((CHUNK, D), jnp.uint32),
        pltpu.VMEM((CHUNK, D // 2), jnp.uint32),
        pltpu.VMEM((CHUNK, D // 2), jnp.uint32),
        pltpu.SemaphoreType.DMA,
        pltpu.SemaphoreType.DMA,
        pltpu.SemaphoreType.DMA,
        pltpu.SemaphoreType.DMA,
    ],
)
def _sc_gather(table_hbm, idx_hbm, h_hbm, idx_v, buf_a, buf_b, pk_a, pk_b,
               gsem_a, gsem_b, osem_a, osem_b):
    wid = lax.axis_index("s") * NC + lax.axis_index("c")
    base = wid * T_PER_W
    pltpu.sync_copy(idx_hbm.at[pl.ds(base, T_PER_W)], idx_v)

    def start_gather(c, buf, gsem):
        pltpu.async_copy(
            table_hbm.at[idx_v.at[pl.ds(c * CHUNK, CHUNK)]], buf, gsem)

    def wait_gather(c, buf, gsem):
        pltpu.make_async_copy(
            table_hbm.at[idx_v.at[pl.ds(c * CHUNK, CHUNK)]], buf, gsem).wait()

    def convert(buf, pk):
        rnd = jnp.uint32(0x8000)
        himask = jnp.uint32(0xFFFF0000)

        def cbody(j, carry):
            for k in range(D // 32):
                lo = buf[j, pl.ds(32 * k, 16)]
                hi = buf[j, pl.ds(32 * k + 16, 16)]
                lo_bits = jnp.right_shift(lo + rnd, jnp.uint32(16))
                hi_bits = jnp.bitwise_and(hi + rnd, himask)
                word = jnp.bitwise_or(lo_bits, hi_bits)
                pk[j, pl.ds(16 * k, 16)] = word
            return carry
        lax.fori_loop(0, CHUNK, cbody, 0)

    def start_out(c, pk, osem):
        pltpu.async_copy(pk, h_hbm.at[pl.ds(base + c * CHUNK, CHUNK)], osem)

    def wait_out(c, pk, osem):
        pltpu.make_async_copy(
            pk, h_hbm.at[pl.ds(base + c * CHUNK, CHUNK)], osem).wait()

    start_gather(0, buf_a, gsem_a)

    def half(k, c, buf, pk, gsem, osem, buf_n, gsem_n, last):
        wait_gather(c, buf, gsem)

        @pl.when(c + 1 < NCHUNK)
        def _():
            start_gather(c + 1, buf_n, gsem_n)
        convert(buf, pk)

        @pl.when(k > 0)
        def _():
            wait_out(c - 2, pk, osem)
        start_out(c, pk, osem)

    def body(k, carry):
        half(k, 2 * k, buf_a, pk_a, gsem_a, osem_a, buf_b, gsem_b, False)
        half(k, 2 * k + 1, buf_b, pk_b, gsem_b, osem_b, buf_a, gsem_a, True)
        return carry

    lax.fori_loop(0, NCHUNK // 2, body, 0)
    wait_out(NCHUNK - 2, pk_a, osem_a)
    wait_out(NCHUNK - 1, pk_b, osem_b)


BLK_B = 64
BLK_T = BLK_B * SP


def _tc_matmul_body(h_ref, wlo_ref, whi_ref, b_ref, o_ref):
    hw = h_ref[...]
    lo = lax.bitcast_convert_type(
        lax.shift_left(hw, jnp.uint32(16)), jnp.float32)
    hi = lax.bitcast_convert_type(
        jnp.bitwise_and(hw, jnp.uint32(0xFFFF0000)), jnp.float32)
    dn = (((1,), (1,)), ((), ()))
    acc = (
        lax.dot_general(lo, wlo_ref[...], dn, preferred_element_type=jnp.float32)
        + lax.dot_general(hi, whi_ref[...], dn, preferred_element_type=jnp.float32)
        + b_ref[...]
    )
    o_ref[...] = acc.reshape(BLK_B, SP, O)


def _tc_matmul(h, Wlo, Whi, b):
    return pl.pallas_call(
        _tc_matmul_body,
        grid=(B // BLK_B,),
        in_specs=[
            pl.BlockSpec((BLK_T, D // 2), lambda i: (i, 0)),
            pl.BlockSpec((O, D // 2), lambda i: (0, 0)),
            pl.BlockSpec((O, D // 2), lambda i: (0, 0)),
            pl.BlockSpec((1, O), lambda i: (0, 0)),
        ],
        out_specs=pl.BlockSpec((BLK_B, SP, O), lambda i: (i, 0, 0)),
        out_shape=jax.ShapeDtypeStruct((B, SP, O), jnp.float32),
    )(h, Wlo, Whi, b.reshape(1, O))


def kernel(x, table, W, b):
    xp = jnp.pad(x.astype(jnp.int32), ((0, 0), (0, SP - S)),
                 mode="edge").reshape(TP)
    j = jnp.arange(D // 2)
    k, i = j // 16, j % 16
    Wlo = W[:, 32 * k + i]
    Whi = W[:, 32 * k + 16 + i]
    table_u = lax.bitcast_convert_type(table, jnp.uint32)
    h = _sc_gather(table_u, xp)
    return _tc_matmul(h, Wlo, Whi, b)[:, :S, :]

# --- scband reference (transcript-rebuilt; emitter-appended) ---
"""Pipeline reference for scband-mimo-embedding-55697135894961 (READ-ONLY COPY).

The authoritative reference and input builder live on the scoring server;
editing this copy changes nothing except your own understanding.
"""

import jax, jax.numpy as jnp
import numpy as np

NUM_EMBEDDINGS = 1000000
EMBEDDING_DIM = 64
NUM_HEADS = 4
PADDING_IDX = 0
TABLE_DIM = EMBEDDING_DIM * NUM_HEADS


def setup_inputs(seed: int = 0) -> dict:
    key = jax.random.key(seed)
    k_idx, k_tab, k_w, k_b = jax.random.split(key, 4)
    x = jax.random.randint(k_idx, (4096, 50), 0, NUM_EMBEDDINGS, dtype=jnp.int64 if jax.config.jax_enable_x64 else jnp.int32)
    # Embedding table: normal(0, TABLE_DIM**-0.5), padding row zeroed
    table = jax.random.normal(k_tab, (NUM_EMBEDDINGS, TABLE_DIM), dtype=jnp.float32) * (TABLE_DIM ** (-0.5))
    table = table.at[PADDING_IDX].set(0.0)
    # Linear reduction params: weight [out=EMBEDDING_DIM, in=TABLE_DIM], bias [EMBEDDING_DIM]
    bound = 1.0 / np.sqrt(TABLE_DIM)
    W = jax.random.uniform(k_w, (EMBEDDING_DIM, TABLE_DIM), minval=-bound, maxval=bound, dtype=jnp.float32)
    b = jax.random.uniform(k_b, (EMBEDDING_DIM,), minval=-bound, maxval=bound, dtype=jnp.float32)
    return {"x": x, "table": table, "W": W, "b": b}


def reference(x, table, W, b):
    # Embedding lookup (gather): [B, S] -> [B, S, TABLE_DIM]
    h = jnp.take(table, x, axis=0)
    # Eval-mode path: no head/batch shuffle, straight linear reduction
    out = jnp.einsum('bsd,od->bso', h, W) + b
    return out

if __name__ == "__main__":
    import jax
    _d = setup_inputs()
    print(jax.jit(kernel)(*tuple(_d.values())))

</pallas_src>

<mosaic_0001>
#map = affine_map<(d0, d1) -> (0, 0)>
#map1 = affine_map<(d0, d1) -> (0)>
module attributes {stable_mosaic.version = 14 : i64} {
  func.func @_sc_gather(%arg0: i32, %arg1: i32, %arg2: memref<1000000x256xi32, #tpu.memory_space<hbm>>, %arg3: memref<229376xi32, #tpu.memory_space<hbm>>, %arg4: memref<229376x128xi32, #tpu.memory_space<hbm>>, %arg5: memref<7168xi32, #tpu.memory_space<vmem>>, %arg6: memref<128x256xi32, #tpu.memory_space<vmem>>, %arg7: memref<128x256xi32, #tpu.memory_space<vmem>>, %arg8: memref<128x128xi32, #tpu.memory_space<vmem>>, %arg9: memref<128x128xi32, #tpu.memory_space<vmem>>, %arg10: memref<!tpu.dma_semaphore, #tpu.memory_space<semaphore_mem>>, %arg11: memref<!tpu.dma_semaphore, #tpu.memory_space<semaphore_mem>>, %arg12: memref<!tpu.dma_semaphore, #tpu.memory_space<semaphore_mem>>, %arg13: memref<!tpu.dma_semaphore, #tpu.memory_space<semaphore_mem>>) attributes {dimension_semantics = [#tpu.dimension_semantics<core_parallel>, #tpu.dimension_semantics<subcore_parallel>], iteration_bounds = array<i64: 2, 16>, scalar_prefetch = 0 : i64, scratch_operands = 9 : i64, tpu.core_type = #tpu.core_type<sc_vector_subcore>, window_params = [{transform_indices = #map}, {transform_indices = #map1}, {transform_indices = #map}]} {
    %mul3A = arith.constant 2 : i32
    %mul3A_0 = arith.muli %arg1, %mul3A : i32
    %add3A = arith.addi %mul3A_0, %arg0 : i32
    %mul3A_1 = arith.constant 7168 : i32
    %mul3A_2 = arith.muli %add3A, %mul3A_1 : i32
    "tpu.region"() ({
      %run_scoped3A = tpu.sem_alloc : memref<!tpu.dma_semaphore, #tpu.memory_space<semaphore_mem>>
      %dma_start3A_23 = tpu.memref_slice %arg3[%mul3A_2] : memref<229376xi32, #tpu.memory_space<hbm>> -> memref<7168xi32, #tpu.memory_space<hbm>>
      %dma_start3A_24 = tpu.memref_slice %arg3[%mul3A_2] : memref<229376xi32, #tpu.memory_space<hbm>> -> memref<7168xi32, #tpu.memory_space<hbm>>
      tpu.enqueue_dma source(%dma_start3A_24 : memref<7168xi32, #tpu.memory_space<hbm>>) target(%arg5 : memref<7168xi32, #tpu.memory_space<vmem>>) target_semaphore(%run_scoped3A : memref<!tpu.dma_semaphore, #tpu.memory_space<semaphore_mem>>)
      %dma_wait3A_25 = tpu.memref_slice %arg3[%mul3A_2] : memref<229376xi32, #tpu.memory_space<hbm>> -> memref<7168xi32, #tpu.memory_space<hbm>>
      %dma_wait3A_26 = tpu.memref_slice %arg3[%mul3A_2] : memref<229376xi32, #tpu.memory_space<hbm>> -> memref<7168xi32, #tpu.memory_space<hbm>>
      tpu.wait_dma2 semaphore(%run_scoped3A : memref<!tpu.dma_semaphore, #tpu.memory_space<semaphore_mem>>) src(%dma_wait3A_26 : memref<7168xi32, #tpu.memory_space<hbm>>) dst(%arg5 : memref<7168xi32, #tpu.memory_space<vmem>>)
      tpu.yield
    }) : () -> ()
    %dma_start3A = arith.constant 0 : i32
    %dma_start3A_3 = tpu.memref_slice %arg5[%dma_start3A] : memref<7168xi32, #tpu.memory_space<vmem>> -> memref<128xi32, #tpu.memory_space<vmem>>
    %dma_start3A_4 = arith.constant 0 : i32
    %dma_start3A_5 = arith.constant 0 : i32
    %dma_start3A_6 = tpu.memref_slice %arg2[%dma_start3A_4, %dma_start3A_5] : memref<1000000x256xi32, #tpu.memory_space<hbm>> -> memref<1000000x256xi32, #tpu.memory_space<hbm>>
    tpu.enqueue_indirect_dma source(%dma_start3A_6 : memref<1000000x256xi32, #tpu.memory_space<hbm>>) target(%arg6 : memref<128x256xi32, #tpu.memory_space<vmem>>) offsets(%dma_start3A_3 : memref<128xi32, #tpu.memory_space<vmem>>) semaphore(%arg10 : memref<!tpu.dma_semaphore, #tpu.memory_space<semaphore_mem>>)
    %scan3A = arith.constant 0 : i32
    %scan3A_7 = arith.constant 0 : i32
    %scan3A_8 = arith.constant 28 : i32
    %scan3A_9 = arith.addi %scan3A_7, %scan3A_8 : i32
    %scan3A_10 = arith.constant 1 : i32
    scf.for %scan3A_23 = %scan3A_7 to %scan3A_9 step %scan3A_10  : i32 {
      %mul3A_24 = arith.constant 2 : i32
      %mul3A_25 = arith.muli %mul3A_24, %scan3A_23 : i32
      %mul3A_26 = arith.constant 128 : i32
      %mul3A_27 = arith.muli %mul3A_25, %mul3A_26 : i32
      %dma_wait3A_28 = tpu.memref_slice %arg5[%mul3A_27] : memref<7168xi32, #tpu.memory_space<vmem>> -> memref<128xi32, #tpu.memory_space<vmem>>
      %dma_wait3A_29 = arith.constant 0 : i32
      %dma_wait3A_30 = arith.constant 0 : i32
      %dma_wait3A_31 = tpu.memref_slice %arg2[%dma_wait3A_29, %dma_wait3A_30] : memref<1000000x256xi32, #tpu.memory_space<hbm>> -> memref<1000000x256xi32, #tpu.memory_space<hbm>>
      tpu.wait_indirect_dma semaphore(%arg10 : memref<!tpu.dma_semaphore, #tpu.memory_space<semaphore_mem>>) src(%dma_wait3A_31 : memref<1000000x256xi32, #tpu.memory_space<hbm>>) dst(%arg6 : memref<128x256xi32, #tpu.memory_space<vmem>>)
      %add3A_32 = arith.constant 1 : i32
      %add3A_33 = arith.addi %mul3A_25, %add3A_32 : i32
      %lt3A = arith.constant 56 : i32
      %lt3A_34 = arith.cmpi slt, %add3A_33, %lt3A : i32
      %convert_element_type3A = arith.extui %lt3A_34 : i1 to i32
      %cond3A = arith.constant 0 : i32
      %cond3A_35 = arith.cmpi ne, %convert_element_type3A, %cond3A : i32
      scf.if %cond3A_35 {
        %add3A_92 = arith.constant 1 : i32
        %add3A_93 = arith.addi %mul3A_25, %add3A_92 : i32
        %mul3A_94 = arith.constant 128 : i32
        %mul3A_95 = arith.muli %add3A_93, %mul3A_94 : i32
        %dma_start3A_96 = tpu.memref_slice %arg5[%mul3A_95] : memref<7168xi32, #tpu.memory_space<vmem>> -> memref<128xi32, #tpu.memory_space<vmem>>
        %dma_start3A_97 = arith.constant 0 : i32
        %dma_start3A_98 = arith.constant 0 : i32
        %dma_start3A_99 = tpu.memref_slice %arg2[%dma_start3A_97, %dma_start3A_98] : memref<1000000x256xi32, #tpu.memory_space<hbm>> -> memref<1000000x256xi32, #tpu.memory_space<hbm>>
        tpu.enqueue_indirect_dma source(%dma_start3A_99 : memref<1000000x256xi32, #tpu.memory_space<hbm>>) target(%arg7 : memref<128x256xi32, #tpu.memory_space<vmem>>) offsets(%dma_start3A_96 : memref<128xi32, #tpu.memory_space<vmem>>) semaphore(%arg11 : memref<!tpu.dma_semaphore, #tpu.memory_space<semaphore_mem>>)
      } else {
      }
      %scan3A_36 = arith.constant 0 : i32
      %scan3A_37 = arith.constant 32768 : i32
      %scan3A_38 = arith.constant -65536 : i32
      %scan3A_39 = arith.constant 0 : i32
      %scan3A_40 = arith.constant 128 : i32
      %scan3A_41 = arith.addi %scan3A_39, %scan3A_40 : i32
      %scan3A_42 = arith.constant 1 : i32
      scf.for %scan3A_92 = %scan3A_39 to %scan3A_41 step %scan3A_42  : i32 {
        %get3A = arith.index_cast %scan3A_92 : i32 to index
        %get3A_93 = arith.constant 0 : index
        %get3A_94 = tpu.vector_load %arg6[%get3A, %get3A_93] {strides = array<i32>} : memref<128x256xi32, #tpu.memory_space<vmem>>, vector<1x16xi32>,
        %get3A_95 = vector.shape_cast %get3A_94 : vector<1x16xi32> to vector<16xi32>
        %get3A_96 = arith.index_cast %scan3A_92 : i32 to index
        %get3A_97 = arith.constant 16 : index
        %get3A_98 = tpu.vector_load %arg6[%get3A_96, %get3A_97] {strides = array<i32>} : memref<128x256xi32, #tpu.memory_space<vmem>>, vector<1x16xi32>,
        %get3A_99 = vector.shape_cast %get3A_98 : vector<1x16xi32> to vector<16xi32>
        %add3A_100 = vector.broadcast %scan3A_37 : i32 to vector<16xi32>
        %add3A_101 = arith.addi %get3A_95, %add3A_100 : vector<16xi32>
        %shift_right_logical3A = arith.constant 16 : i32
        %shift_right_logical3A_102 = vector.broadcast %shift_right_logical3A : i32 to vector<16xi32>
        %shift_right_logical3A_103 = arith.shrui %add3A_101, %shift_right_logical3A_102 : vector<16xi32>
        %add3A_104 = vector.broadcast %scan3A_37 : i32 to vector<16xi32>
        %add3A_105 = arith.addi %get3A_99, %add3A_104 : vector<16xi32>
        %and3A = vector.broadcast %scan3A_38 : i32 to vector<16xi32>
        %and3A_106 = arith.andi %add3A_105, %and3A : vector<16xi32>
        %or3A = arith.ori %shift_right_logical3A_103, %and3A_106 : vector<16xi32>
        %swap3A = arith.index_cast %scan3A_92 : i32 to index
        %swap3A_107 = arith.constant 0 : index
        %swap3A_108 = tpu.vector_load %arg8[%swap3A, %swap3A_107] {strides = array<i32>} : memref<128x128xi32, #tpu.memory_space<vmem>>, vector<1x16xi32>,
        %swap3A_109 = vector.shape_cast %swap3A_108 : vector<1x16xi32> to vector<16xi32>
        %swap3A_110 = vector.shape_cast %or3A : vector<16xi32> to vector<1x16xi32>
        tpu.vector_store %arg8[%swap3A, %swap3A_107], %swap3A_110 {strides = array<i32>} : memref<128x128xi32, #tpu.memory_space<vmem>>, vector<1x16xi32>,
        %get3A_111 = arith.index_cast %scan3A_92 : i32 to index
        %get3A_112 = arith.constant 32 : index
        %get3A_113 = tpu.vector_load %arg6[%get3A_111, %get3A_112] {strides = array<i32>} : memref<128x256xi32, #tpu.memory_space<vmem>>, vector<1x16xi32>,
        %get3A_114 = vector.shape_cast %get3A_113 : vector<1x16xi32> to vector<16xi32>
        %get3A_115 = arith.index_cast %scan3A_92 : i32 to index
        %get3A_116 = arith.constant 48 : index
        %get3A_117 = tpu.vector_load %arg6[%get3A_115, %get3A_116] {strides = array<i32>} : memref<128x256xi32, #tpu.memory_space<vmem>>, vector<1x16xi32>,
        %get3A_118 = vector.shape_cast %get3A_117 : vector<1x16xi32> to vector<16xi32>
        %add3A_119 = vector.broadcast %scan3A_37 : i32 to vector<16xi32>
        %add3A_120 = arith.addi %get3A_114, %add3A_119 : vector<16xi32>
        %shift_right_logical3A_121 = arith.constant 16 : i32
        %shift_right_logical3A_122 = vector.broadcast %shift_right_logical3A_121 : i32 to vector<16xi32>
        %shift_right_logical3A_123 = arith.shrui %add3A_120, %shift_right_logical3A_122 : vector<16xi32>
        %add3A_124 = vector.broadcast %scan3A_37 : i32 to vector<16xi32>
        %add3A_125 = arith.addi %get3A_118, %add3A_124 : vector<16xi32>
        %and3A_126 = vector.broadcast %scan3A_38 : i32 to vector<16xi32>
        %and3A_127 = arith.andi %add3A_125, %and3A_126 : vector<16xi32>
        %or3A_128 = arith.ori %shift_right_logical3A_123, %and3A_127 : vector<16xi32>
        %swap3A_129 = arith.index_cast %scan3A_92 : i32 to index
        %swap3A_130 = arith.constant 16 : index
        %swap3A_131 = tpu.vector_load %arg8[%swap3A_129, %swap3A_130] {strides = array<i32>} : memref<128x128xi32, #tpu.memory_space<vmem>>, vector<1x16xi32>,
        %swap3A_132 = vector.shape_cast %swap3A_131 : vector<1x16xi32> to vector<16xi32>
        %swap3A_133 = vector.shape_cast %or3A_128 : vector<16xi32> to vector<1x16xi32>
        tpu.vector_store %arg8[%swap3A_129, %swap3A_130], %swap3A_133 {strides = array<i32>} : memref<128x128xi32, #tpu.memory_space<vmem>>, vector<1x16xi32>,
        %get3A_134 = arith.index_cast %scan3A_92 : i32 to index
        %get3A_135 = arith.constant 64 : index
        %get3A_136 = tpu.vector_load %arg6[%get3A_134, %get3A_135] {strides = array<i32>} : memref<128x256xi32, #tpu.memory_space<vmem>>, vector<1x16xi32>,
        %get3A_137 = vector.shape_cast %get3A_136 : vector<1x16xi32> to vector<16xi32>
        %get3A_138 = arith.index_cast %scan3A_92 : i32 to index
        %get3A_139 = arith.constant 80 : index
        %get3A_140 = tpu.vector_load %arg6[%get3A_138, %get3A_139] {strides = array<i32>} : memref<128x256xi32, #tpu.memory_space<vmem>>, vector<1x16xi32>,
        %get3A_141 = vector.shape_cast %get3A_140 : vector<1x16xi32> to vector<16xi32>
        %add3A_142 = vector.broadcast %scan3A_37 : i32 to vector<16xi32>
        %add3A_143 = arith.addi %get3A_137, %add3A_142 : vector<16xi32>
        %shift_right_logical3A_144 = arith.constant 16 : i32
        %shift_right_logical3A_145 = vector.broadcast %shift_right_logical3A_144 : i32 to vector<16xi32>
        %shift_right_logical3A_146 = arith.shrui %add3A_143, %shift_right_logical3A_145 : vector<16xi32>
        %add3A_147 = vector.broadcast %scan3A_37 : i32 to vector<16xi32>
        %add3A_148 = arith.addi %get3A_141, %add3A_147 : vector<16xi32>
        %and3A_149 = vector.broadcast %scan3A_38 : i32 to vector<16xi32>
        %and3A_150 = arith.andi %add3A_148, %and3A_149 : vector<16xi32>
        %or3A_151 = arith.ori %shift_right_logical3A_146, %and3A_150 : vector<16xi32>
        %swap3A_152 = arith.index_cast %scan3A_92 : i32 to index
        %swap3A_153 = arith.constant 32 : index
        %swap3A_154 = tpu.vector_load %arg8[%swap3A_152, %swap3A_153] {strides = array<i32>} : memref<128x128xi32, #tpu.memory_space<vmem>>, vector<1x16xi32>,
        %swap3A_155 = vector.shape_cast %swap3A_154 : vector<1x16xi32> to vector<16xi32>
        %swap3A_156 = vector.shape_cast %or3A_151 : vector<16xi32> to vector<1x16xi32>
        tpu.vector_store %arg8[%swap3A_152, %swap3A_153], %swap3A_156 {strides = array<i32>} : memref<128x128xi32, #tpu.memory_space<vmem>>, vector<1x16xi32>,
        %get3A_157 = arith.index_cast %scan3A_92 : i32 to index
        %get3A_158 = arith.constant 96 : index
        %get3A_159 = tpu.vector_load %arg6[%get3A_157, %get3A_158] {strides = array<i32>} : memref<128x256xi32, #tpu.memory_space<vmem>>, vector<1x16xi32>,
        %get3A_160 = vector.shape_cast %get3A_159 : vector<1x16xi32> to vector<16xi32>
        %get3A_161 = arith.index_cast %scan3A_92 : i32 to index
        %get3A_162 = arith.constant 112 : index
        %get3A_163 = tpu.vector_load %arg6[%get3A_161, %get3A_162] {strides = array<i32>} : memref<128x256xi32, #tpu.memory_space<vmem>>, vector<1x16xi32>,
        %get3A_164 = vector.shape_cast %get3A_163 : vector<1x16xi32> to vector<16xi32>
        %add3A_165 = vector.broadcast %scan3A_37 : i32 to vector<16xi32>
        %add3A_166 = arith.addi %get3A_160, %add3A_165 : vector<16xi32>
        %shift_right_logical3A_167 = arith.constant 16 : i32
        %shift_right_logical3A_168 = vector.broadcast %shift_right_logical3A_167 : i32 to vector<16xi32>
        %shift_right_logical3A_169 = arith.shrui %add3A_166, %shift_right_logical3A_168 : vector<16xi32>
        %add3A_170 = vector.broadcast %scan3A_37 : i32 to vector<16xi32>
        %add3A_171 = arith.addi %get3A_164, %add3A_170 : vector<16xi32>
        %and3A_172 = vector.broadcast %scan3A_38 : i32 to vector<16xi32>
        %and3A_173 = arith.andi %add3A_171, %and3A_172 : vector<16xi32>
        %or3A_174 = arith.ori %shift_right_logical3A_169, %and3A_173 : vector<16xi32>
        %swap3A_175 = arith.index_cast %scan3A_92 : i32 to index
        %swap3A_176 = arith.constant 48 : index
        %swap3A_177 = tpu.vector_load %arg8[%swap3A_175, %swap3A_176] {strides = array<i32>} : memref<128x128xi32, #tpu.memory_space<vmem>>, vector<1x16xi32>,
        %swap3A_178 = vector.shape_cast %swap3A_177 : vector<1x16xi32> to vector<16xi32>
        %swap3A_179 = vector.shape_cast %or3A_174 : vector<16xi32> to vector<1x16xi32>
        tpu.vector_store %arg8[%swap3A_175, %swap3A_176], %swap3A_179 {strides = array<i32>} : memref<128x128xi32, #tpu.memory_space<vmem>>, vector<1x16xi32>,
        %get3A_180 = arith.index_cast %scan3A_92 : i32 to index
        %get3A_181 = arith.constant 128 : index
        %get3A_182 = tpu.vector_load %arg6[%get3A_180, %get3A_181] {strides = array<i32>} : memref<128x256xi32, #tpu.memory_space<vmem>>, vector<1x16xi32>,
        %get3A_183 = vector.shape_cast %get3A_182 : vector<1x16xi32> to vector<16xi32>
        %get3A_184 = arith.index_cast %scan3A_92 : i32 to index
        %get3A_185 = arith.constant 144 : index
        %get3A_186 = tpu.vector_load %arg6[%get3A_184, %get3A_185] {strides = array<i32>} : memref<128x256xi32, #tpu.memory_space<vmem>>, vector<1x16xi32>,
        %get3A_187 = vector.shape_cast %get3A_186 : vector<1x16xi32> to vector<16xi32>
        %add3A_188 = vector.broadcast %scan3A_37 : i32 to vector<16xi32>
        %add3A_189 = arith.addi %get3A_183, %add3A_188 : vector<16xi32>
        %shift_right_logical3A_190 = arith.constant 16 : i32
        %shift_right_logical3A_191 = vector.broadcast %shift_right_logical3A_190 : i32 to vector<16xi32>
        %shift_right_logical3A_192 = arith.shrui %add3A_189, %shift_right_logical3A_191 : vector<16xi32>
        %add3A_193 = vector.broadcast %scan3A_37 : i32 to vector<16xi32>
        %add3A_194 = arith.addi %get3A_187, %add3A_193 : vector<16xi32>
        %and3A_195 = vector.broadcast %scan3A_38 : i32 to vector<16xi32>
        %and3A_196 = arith.andi %add3A_194, %and3A_195 : vector<16xi32>
        %or3A_197 = arith.ori %shift_right_logical3A_192, %and3A_196 : vector<16xi32>
        %swap3A_198 = arith.index_cast %scan3A_92 : i32 to index
        %swap3A_199 = arith.constant 64 : index
        %swap3A_200 = tpu.vector_load %arg8[%swap3A_198, %swap3A_199] {strides = array<i32>} : memref<128x128xi32, #tpu.memory_space<vmem>>, vector<1x16xi32>,
        %swap3A_201 = vector.shape_cast %swap3A_200 : vector<1x16xi32> to vector<16xi32>
        %swap3A_202 = vector.shape_cast %or3A_197 : vector<16xi32> to vector<1x16xi32>
        tpu.vector_store %arg8[%swap3A_198, %swap3A_199], %swap3A_202 {strides = array<i32>} : memref<128x128xi32, #tpu.memory_space<vmem>>, vector<1x16xi32>,
        %get3A_203 = arith.index_cast %scan3A_92 : i32 to index
        %get3A_204 = arith.constant 160 : index
        %get3A_205 = tpu.vector_load %arg6[%get3A_203, %get3A_204] {strides = array<i32>} : memref<128x256xi32, #tpu.memory_space<vmem>>, vector<1x16xi32>,
        %get3A_206 = vector.shape_cast %get3A_205 : vector<1x16xi32> to vector<16xi32>
        %get3A_207 = arith.index_cast %scan3A_92 : i32 to index
        %get3A_208 = arith.constant 176 : index
        %get3A_209 = tpu.vector_load %arg6[%get3A_207, %get3A_208] {strides = array<i32>} : memref<128x256xi32, #tpu.memory_space<vmem>>, vector<1x16xi32>,
        %get3A_210 = vector.shape_cast %get3A_209 : vector<1x16xi32> to vector<16xi32>
        %add3A_211 = vector.broadcast %scan3A_37 : i32 to vector<16xi32>
        %add3A_212 = arith.addi %get3A_206, %add3A_211 : vector<16xi32>
        %shift_right_logical3A_213 = arith.constant 16 : i32
        %shift_right_logical3A_214 = vector.broadcast %shift_right_logical3A_213 : i32 to vector<16xi32>
        %shift_right_logical3A_215 = arith.shrui %add3A_212, %shift_right_logical3A_214 : vector<16xi32>
        %add3A_216 = vector.broadcast %scan3A_37 : i32 to vector<16xi32>
        %add3A_217 = arith.addi %get3A_210, %add3A_216 : vector<16xi32>
        %and3A_218 = vector.broadcast %scan3A_38 : i32 to vector<16xi32>
        %and3A_219 = arith.andi %add3A_217, %and3A_218 : vector<16xi32>
        %or3A_220 = arith.ori %shift_right_logical3A_215, %and3A_219 : vector<16xi32>
        %swap3A_221 = arith.index_cast %scan3A_92 : i32 to index
        %swap3A_222 = arith.constant 80 : index
        %swap3A_223 = tpu.vector_load %arg8[%swap3A_221, %swap3A_222] {strides = array<i32>} : memref<128x128xi32, #tpu.memory_space<vmem>>, vector<1x16xi32>,
        %swap3A_224 = vector.shape_cast %swap3A_223 : vector<1x16xi32> to vector<16xi32>
        %swap3A_225 = vector.shape_cast %or3A_220 : vector<16xi32> to vector<1x16xi32>
        tpu.vector_store %arg8[%swap3A_221, %swap3A_222], %swap3A_225 {strides = array<i32>} : memref<128x128xi32, #tpu.memory_space<vmem>>, vector<1x16xi32>,
        %get3A_226 = arith.index_cast %scan3A_92 : i32 to index
        %get3A_227 = arith.constant 192 : index
        %get3A_228 = tpu.vector_load %arg6[%get3A_226, %get3A_227] {strides = array<i32>} : memref<128x256xi32, #tpu.memory_space<vmem>>, vector<1x16xi32>,
        %get3A_229 = vector.shape_cast %get3A_228 : vector<1x16xi32> to vector<16xi32>
        %get3A_230 = arith.index_cast %scan3A_92 : i32 to index
        %get3A_231 = arith.constant 208 : index
        %get3A_232 = tpu.vector_load %arg6[%get3A_230, %get3A_231] {strides = array<i32>} : memref<128x256xi32, #tpu.memory_space<vmem>>, vector<1x16xi32>,
        %get3A_233 = vector.shape_cast %get3A_232 : vector<1x16xi32> to vector<16xi32>
        %add3A_234 = vector.broadcast %scan3A_37 : i32 to vector<16xi32>
        %add3A_235 = arith.addi %get3A_229, %add3A_234 : vector<16xi32>
        %shift_right_logical3A_236 = arith.constant 16 : i32
        %shift_right_logical3A_237 = vector.broadcast %shift_right_logical3A_236 : i32 to vector<16xi32>
        %shift_right_logical3A_238 = arith.shrui %add3A_235, %shift_right_logical3A_237 : vector<16xi32>
        %add3A_239 = vector.broadcast %scan3A_37 : i32 to vector<16xi32>
        %add3A_240 = arith.addi %get3A_233, %add3A_239 : vector<16xi32>
        %and3A_241 = vector.broadcast %scan3A_38 : i32 to vector<16xi32>
        %and3A_242 = arith.andi %add3A_240, %and3A_241 : vector<16xi32>
        %or3A_243 = arith.ori %shift_right_logical3A_238, %and3A_242 : vector<16xi32>
        %swap3A_244 = arith.index_cast %scan3A_92 : i32 to index
        %swap3A_245 = arith.constant 96 : index
        %swap3A_246 = tpu.vector_load %arg8[%swap3A_244, %swap3A_245] {strides = array<i32>} : memref<128x128xi32, #tpu.memory_space<vmem>>, vector<1x16xi32>,
        %swap3A_247 = vector.shape_cast %swap3A_246 : vector<1x16xi32> to vector<16xi32>
        %swap3A_248 = vector.shape_cast %or3A_243 : vector<16xi32> to vector<1x16xi32>
        tpu.vector_store %arg8[%swap3A_244, %swap3A_245], %swap3A_248 {strides = array<i32>} : memref<128x128xi32, #tpu.memory_space<vmem>>, vector<1x16xi32>,
        %get3A_249 = arith.index_cast %scan3A_92 : i32 to index
        %get3A_250 = arith.constant 224 : index
        %get3A_251 = tpu.vector_load %arg6[%get3A_249, %get3A_250] {strides = array<i32>} : memref<128x256xi32, #tpu.memory_space<vmem>>, vector<1x16xi32>,
        %get3A_252 = vector.shape_cast %get3A_251 : vector<1x16xi32> to vector<16xi32>
        %get3A_253 = arith.index_cast %scan3A_92 : i32 to index
        %get3A_254 = arith.constant 240 : index
        %get3A_255 = tpu.vector_load %arg6[%get3A_253, %get3A_254] {strides = array<i32>} : memref<128x256xi32, #tpu.memory_space<vmem>>, vector<1x16xi32>,
        %get3A_256 = vector.shape_cast %get3A_255 : vector<1x16xi32> to vector<16xi32>
        %add3A_257 = vector.broadcast %scan3A_37 : i32 to vector<16xi32>
        %add3A_258 = arith.addi %get3A_252, %add3A_257 : vector<16xi32>
        %shift_right_logical3A_259 = arith.constant 16 : i32
        %shift_right_logical3A_260 = vector.broadcast %shift_right_logical3A_259 : i32 to vector<16xi32>
        %shift_right_logical3A_261 = arith.shrui %add3A_258, %shift_right_logical3A_260 : vector<16xi32>
        %add3A_262 = vector.broadcast %scan3A_37 : i32 to vector<16xi32>
        %add3A_263 = arith.addi %get3A_256, %add3A_262 : vector<16xi32>
        %and3A_264 = vector.broadcast %scan3A_38 : i32 to vector<16xi32>
        %and3A_265 = arith.andi %add3A_263, %and3A_264 : vector<16xi32>
        %or3A_266 = arith.ori %shift_right_logical3A_261, %and3A_265 : vector<16xi32>
        %swap3A_267 = arith.index_cast %scan3A_92 : i32 to index
        %swap3A_268 = arith.constant 112 : index
        %swap3A_269 = tpu.vector_load %arg8[%swap3A_267, %swap3A_268] {strides = array<i32>} : memref<128x128xi32, #tpu.memory_space<vmem>>, vector<1x16xi32>,
        %swap3A_270 = vector.shape_cast %swap3A_269 : vector<1x16xi32> to vector<16xi32>
        %swap3A_271 = vector.shape_cast %or3A_266 : vector<16xi32> to vector<1x16xi32>
        tpu.vector_store %arg8[%swap3A_267, %swap3A_268], %swap3A_271 {strides = array<i32>} : memref<128x128xi32, #tpu.memory_space<vmem>>, vector<1x16xi32>,
      }
      %scan3A_43 = arith.constant 128 : i32
      %gt3A = arith.constant 0 : i32
      %gt3A_44 = arith.cmpi sgt, %scan3A_23, %gt3A : i32
      %convert_element_type3A_45 = arith.extui %gt3A_44 : i1 to i32
      %cond3A_46 = arith.constant 0 : i32
      %cond3A_47 = arith.cmpi ne, %convert_element_type3A_45, %cond3A_46 : i32
      scf.if %cond3A_47 {
        %sub3A = arith.constant 2 : i32
        %sub3A_92 = arith.subi %mul3A_25, %sub3A : i32
        %mul3A_93 = arith.constant 128 : i32
        %mul3A_94 = arith.muli %sub3A_92, %mul3A_93 : i32
        %add3A_95 = arith.addi %mul3A_2, %mul3A_94 : i32
        %dma_wait3A_96 = arith.constant 0 : i32
        %dma_wait3A_97 = tpu.memref_slice %arg4[%add3A_95, %dma_wait3A_96] : memref<229376x128xi32, #tpu.memory_space<hbm>> -> memref<128x128xi32, #tpu.memory_space<hbm>>
        %dma_wait3A_98 = arith.constant 0 : i32
        %dma_wait3A_99 = tpu.memref_slice %arg4[%add3A_95, %dma_wait3A_98] : memref<229376x128xi32, #tpu.memory_space<hbm>> -> memref<128x128xi32, #tpu.memory_space<hbm>>
        tpu.wait_dma2 semaphore(%arg12 : memref<!tpu.dma_semaphore, #tpu.memory_space<semaphore_mem>>) src(%arg8 : memref<128x128xi32, #tpu.memory_space<vmem>>) dst(%dma_wait3A_99 : memref<128x128xi32, #tpu.memory_space<hbm>>)
      } else {
      }
      %mul3A_48 = arith.constant 128 : i32
      %mul3A_49 = arith.muli %mul3A_25, %mul3A_48 : i32
      %add3A_50 = arith.addi %mul3A_2, %mul3A_49 : i32
      %dma_start3A_51 = arith.constant 0 : i32
      %dma_start3A_52 = tpu.memref_slice %arg4[%add3A_50, %dma_start3A_51] : memref<229376x128xi32, #tpu.memory_space<hbm>> -> memref<128x128xi32, #tpu.memory_space<hbm>>
      %dma_start3A_53 = arith.constant 0 : i32
      %dma_start3A_54 = tpu.memref_slice %arg4[%add3A_50, %dma_start3A_53] : memref<229376x128xi32, #tpu.memory_space<hbm>> -> memref<128x128xi32, #tpu.memory_space<hbm>>
      tpu.enqueue_dma source(%arg8 : memref<128x128xi32, #tpu.memory_space<vmem>>) target(%dma_start3A_54 : memref<128x128xi32, #tpu.memory_space<hbm>>) target_semaphore(%arg12 : memref<!tpu.dma_semaphore, #tpu.memory_space<semaphore_mem>>)
      %mul3A_55 = arith.constant 2 : i32
      %mul3A_56 = arith.muli %mul3A_55, %scan3A_23 : i32
      %add3A_57 = arith.constant 1 : i32
      %add3A_58 = arith.addi %mul3A_56, %add3A_57 : i32
      %mul3A_59 = arith.constant 128 : i32
      %mul3A_60 = arith.muli %add3A_58, %mul3A_59 : i32
      %dma_wait3A_61 = tpu.memref_slice %arg5[%mul3A_60] : memref<7168xi32, #tpu.memory_space<vmem>> -> memref<128xi32, #tpu.memory_space<vmem>>
      %dma_wait3A_62 = arith.constant 0 : i32
      %dma_wait3A_63 = arith.constant 0 : i32
      %dma_wait3A_64 = tpu.memref_slice %arg2[%dma_wait3A_62, %dma_wait3A_63] : memref<1000000x256xi32, #tpu.memory_space<hbm>> -> memref<1000000x256xi32, #tpu.memory_space<hbm>>
      tpu.wait_indirect_dma semaphore(%arg11 : memref<!tpu.dma_semaphore, #tpu.memory_space<semaphore_mem>>) src(%dma_wait3A_64 : memref<1000000x256xi32, #tpu.memory_space<hbm>>) dst(%arg7 : memref<128x256xi32, #tpu.memory_space<vmem>>)
      %add3A_65 = arith.constant 1 : i32
      %add3A_66 = arith.addi %add3A_58, %add3A_65 : i32
      %lt3A_67 = arith.constant 56 : i32
      %lt3A_68 = arith.cmpi slt, %add3A_66, %lt3A_67 : i32
      %convert_element_type3A_69 = arith.extui %lt3A_68 : i1 to i32
      %cond3A_70 = arith.constant 0 : i32
      %cond3A_71 = arith.cmpi ne, %convert_element_type3A_69, %cond3A_70 : i32
      scf.if %cond3A_71 {
        %add3A_92 = arith.constant 1 : i32
        %add3A_93 = arith.addi %add3A_58, %add3A_92 : i32
        %mul3A_94 = arith.constant 128 : i32
        %mul3A_95 = arith.muli %add3A_93, %mul3A_94 : i32
        %dma_start3A_96 = tpu.memref_slice %arg5[%mul3A_95] : memref<7168xi32, #tpu.memory_space<vmem>> -> memref<128xi32, #tpu.memory_space<vmem>>
        %dma_start3A_97 = arith.constant 0 : i32
        %dma_start3A_98 = arith.constant 0 : i32
        %dma_start3A_99 = tpu.memref_slice %arg2[%dma_start3A_97, %dma_start3A_98] : memref<1000000x256xi32, #tpu.memory_space<hbm>> -> memref<1000000x256xi32, #tpu.memory_space<hbm>>
        tpu.enqueue_indirect_dma source(%dma_start3A_99 : memref<1000000x256xi32, #tpu.memory_space<hbm>>) target(%arg6 : memref<128x256xi32, #tpu.memory_space<vmem>>) offsets(%dma_start3A_96 : memref<128xi32, #tpu.memory_space<vmem>>) semaphore(%arg10 : memref<!tpu.dma_semaphore, #tpu.memory_space<semaphore_mem>>)
      } else {
      }
      %scan3A_72 = arith.constant 0 : i32
      %scan3A_73 = arith.constant 32768 : i32
      %scan3A_74 = arith.constant -65536 : i32
      %scan3A_75 = arith.constant 0 : i32
      %scan3A_76 = arith.constant 128 : i32
      %scan3A_77 = arith.addi %scan3A_75, %scan3A_76 : i32
      %scan3A_78 = arith.constant 1 : i32
      scf.for %scan3A_92 = %scan3A_75 to %scan3A_77 step %scan3A_78  : i32 {
        %get3A = arith.index_cast %scan3A_92 : i32 to index
        %get3A_93 = arith.constant 0 : index
        %get3A_94 = tpu.vector_load %arg7[%get3A, %get3A_93] {strides = array<i32>} : memref<128x256xi32, #tpu.memory_space<vmem>>, vector<1x16xi32>,
        %get3A_95 = vector.shape_cast %get3A_94 : vector<1x16xi32> to vector<16xi32>
        %get3A_96 = arith.index_cast %scan3A_92 : i32 to index
        %get3A_97 = arith.constant 16 : index
        %get3A_98 = tpu.vector_load %arg7[%get3A_96, %get3A_97] {strides = array<i32>} : memref<128x256xi32, #tpu.memory_space<vmem>>, vector<1x16xi32>,
        %get3A_99 = vector.shape_cast %get3A_98 : vector<1x16xi32> to vector<16xi32>
        %add3A_100 = vector.broadcast %scan3A_73 : i32 to vector<16xi32>
        %add3A_101 = arith.addi %get3A_95, %add3A_100 : vector<16xi32>
        %shift_right_logical3A = arith.constant 16 : i32
        %shift_right_logical3A_102 = vector.broadcast %shift_right_logical3A : i32 to vector<16xi32>
        %shift_right_logical3A_103 = arith.shrui %add3A_101, %shift_right_logical3A_102 : vector<16xi32>
        %add3A_104 = vector.broadcast %scan3A_73 : i32 to vector<16xi32>
        %add3A_105 = arith.addi %get3A_99, %add3A_104 : vector<16xi32>
        %and3A = vector.broadcast %scan3A_74 : i32 to vector<16xi32>
        %and3A_106 = arith.andi %add3A_105, %and3A : vector<16xi32>
        %or3A = arith.ori %shift_right_logical3A_103, %and3A_106 : vector<16xi32>
        %swap3A = arith.index_cast %scan3A_92 : i32 to index
        %swap3A_107 = arith.constant 0 : index
        %swap3A_108 = tpu.vector_load %arg9[%swap3A, %swap3A_107] {strides = array<i32>} : memref<128x128xi32, #tpu.memory_space<vmem>>, vector<1x16xi32>,
        %swap3A_109 = vector.shape_cast %swap3A_108 : vector<1x16xi32> to vector<16xi32>
        %swap3A_110 = vector.shape_cast %or3A : vector<16xi32> to vector<1x16xi32>
        tpu.vector_store %arg9[%swap3A, %swap3A_107], %swap3A_110 {strides = array<i32>} : memref<128x128xi32, #tpu.memory_space<vmem>>, vector<1x16xi32>,
        %get3A_111 = arith.index_cast %scan3A_92 : i32 to index
        %get3A_112 = arith.constant 32 : index
        %get3A_113 = tpu.vector_load %arg7[%get3A_111, %get3A_112] {strides = array<i32>} : memref<128x256xi32, #tpu.memory_space<vmem>>, vector<1x16xi32>,
        %get3A_114 = vector.shape_cast %get3A_113 : vector<1x16xi32> to vector<16xi32>
        %get3A_115 = arith.index_cast %scan3A_92 : i32 to index
        %get3A_116 = arith.constant 48 : index
        %get3A_117 = tpu.vector_load %arg7[%get3A_115, %get3A_116] {strides = array<i32>} : memref<128x256xi32, #tpu.memory_space<vmem>>, vector<1x16xi32>,
        %get3A_118 = vector.shape_cast %get3A_117 : vector<1x16xi32> to vector<16xi32>
        %add3A_119 = vector.broadcast %scan3A_73 : i32 to vector<16xi32>
        %add3A_120 = arith.addi %get3A_114, %add3A_119 : vector<16xi32>
        %shift_right_logical3A_121 = arith.constant 16 : i32
        %shift_right_logical3A_122 = vector.broadcast %shift_right_logical3A_121 : i32 to vector<16xi32>
        %shift_right_logical3A_123 = arith.shrui %add3A_120, %shift_right_logical3A_122 : vector<16xi32>
        %add3A_124 = vector.broadcast %scan3A_73 : i32 to vector<16xi32>
        %add3A_125 = arith.addi %get3A_118, %add3A_124 : vector<16xi32>
        %and3A_126 = vector.broadcast %scan3A_74 : i32 to vector<16xi32>
        %and3A_127 = arith.andi %add3A_125, %and3A_126 : vector<16xi32>
        %or3A_128 = arith.ori %shift_right_logical3A_123, %and3A_127 : vector<16xi32>
        %swap3A_129 = arith.index_cast %scan3A_92 : i32 to index
        %swap3A_130 = arith.constant 16 : index
        %swap3A_131 = tpu.vector_load %arg9[%swap3A_129, %swap3A_130] {strides = array<i32>} : memref<128x128xi32, #tpu.memory_space<vmem>>, vector<1x16xi32>,
        %swap3A_132 = vector.shape_cast %swap3A_131 : vector<1x16xi32> to vector<16xi32>
        %swap3A_133 = vector.shape_cast %or3A_128 : vector<16xi32> to vector<1x16xi32>
        tpu.vector_store %arg9[%swap3A_129, %swap3A_130], %swap3A_133 {strides = array<i32>} : memref<128x128xi32, #tpu.memory_space<vmem>>, vector<1x16xi32>,
        %get3A_134 = arith.index_cast %scan3A_92 : i32 to index
        %get3A_135 = arith.constant 64 : index
        %get3A_136 = tpu.vector_load %arg7[%get3A_134, %get3A_135] {strides = array<i32>} : memref<128x256xi32, #tpu.memory_space<vmem>>, vector<1x16xi32>,
        %get3A_137 = vector.shape_cast %get3A_136 : vector<1x16xi32> to vector<16xi32>
        %get3A_138 = arith.index_cast %scan3A_92 : i32 to index
        %get3A_139 = arith.constant 80 : index
        %get3A_140 = tpu.vector_load %arg7[%get3A_138, %get3A_139] {strides = array<i32>} : memref<128x256xi32, #tpu.memory_space<vmem>>, vector<1x16xi32>,
        %get3A_141 = vector.shape_cast %get3A_140 : vector<1x16xi32> to vector<16xi32>
        %add3A_142 = vector.broadcast %scan3A_73 : i32 to vector<16xi32>
        %add3A_143 = arith.addi %get3A_137, %add3A_142 : vector<16xi32>
        %shift_right_logical3A_144 = arith.constant 16 : i32
        %shift_right_logical3A_145 = vector.broadcast %shift_right_logical3A_144 : i32 to vector<16xi32>
        %shift_right_logical3A_146 = arith.shrui %add3A_143, %shift_right_logical3A_145 : vector<16xi32>
        %add3A_147 = vector.broadcast %scan3A_73 : i32 to vector<16xi32>
        %add3A_148 = arith.addi %get3A_141, %add3A_147 : vector<16xi32>
        %and3A_149 = vector.broadcast %scan3A_74 : i32 to vector<16xi32>
        %and3A_150 = arith.andi %add3A_148, %and3A_149 : vector<16xi32>
        %or3A_151 = arith.ori %shift_right_logical3A_146, %and3A_150 : vector<16xi32>
        %swap3A_152 = arith.index_cast %scan3A_92 : i32 to index
        %swap3A_153 = arith.constant 32 : index
        %swap3A_154 = tpu.vector_load %arg9[%swap3A_152, %swap3A_153] {strides = array<i32>} : memref<128x128xi32, #tpu.memory_space<vmem>>, vector<1x16xi32>,
        %swap3A_155 = vector.shape_cast %swap3A_154 : vector<1x16xi32> to vector<16xi32>
        %swap3A_156 = vector.shape_cast %or3A_151 : vector<16xi32> to vector<1x16xi32>
        tpu.vector_store %arg9[%swap3A_152, %swap3A_153], %swap3A_156 {strides = array<i32>} : memref<128x128xi32, #tpu.memory_space<vmem>>, vector<1x16xi32>,
        %get3A_157 = arith.index_cast %scan3A_92 : i32 to index
        %get3A_158 = arith.constant 96 : index
        %get3A_159 = tpu.vector_load %arg7[%get3A_157, %get3A_158] {strides = array<i32>} : memref<128x256xi32, #tpu.memory_space<vmem>>, vector<1x16xi32>,
        %get3A_160 = vector.shape_cast %get3A_159 : vector<1x16xi32> to vector<16xi32>
        %get3A_161 = arith.index_cast %scan3A_92 : i32 to index
        %get3A_162 = arith.constant 112 : index
        %get3A_163 = tpu.vector_load %arg7[%get3A_161, %get3A_162] {strides = array<i32>} : memref<128x256xi32, #tpu.memory_space<vmem>>, vector<1x16xi32>,
        %get3A_164 = vector.shape_cast %get3A_163 : vector<1x16xi32> to vector<16xi32>
        %add3A_165 = vector.broadcast %scan3A_73 : i32 to vector<16xi32>
        %add3A_166 = arith.addi %get3A_160, %add3A_165 : vector<16xi32>
        %shift_right_logical3A_167 = arith.constant 16 : i32
        %shift_right_logical3A_168 = vector.broadcast %shift_right_logical3A_167 : i32 to vector<16xi32>
        %shift_right_logical3A_169 = arith.shrui %add3A_166, %shift_right_logical3A_168 : vector<16xi32>
        %add3A_170 = vector.broadcast %scan3A_73 : i32 to vector<16xi32>
        %add3A_171 = arith.addi %get3A_164, %add3A_170 : vector<16xi32>
        %and3A_172 = vector.broadcast %scan3A_74 : i32 to vector<16xi32>
        %and3A_173 = arith.andi %add3A_171, %and3A_172 : vector<16xi32>
        %or3A_174 = arith.ori %shift_right_logical3A_169, %and3A_173 : vector<16xi32>
        %swap3A_175 = arith.index_cast %scan3A_92 : i32 to index
        %swap3A_176 = arith.constant 48 : index
        %swap3A_177 = tpu.vector_load %arg9[%swap3A_175, %swap3A_176] {strides = array<i32>} : memref<128x128xi32, #tpu.memory_space<vmem>>, vector<1x16xi32>,
        %swap3A_178 = vector.shape_cast %swap3A_177 : vector<1x16xi32> to vector<16xi32>
        %swap3A_179 = vector.shape_cast %or3A_174 : vector<16xi32> to vector<1x16xi32>
        tpu.vector_store %arg9[%swap3A_175, %swap3A_176], %swap3A_179 {strides = array<i32>} : memref<128x128xi32, #tpu.memory_space<vmem>>, vector<1x16xi32>,
        %get3A_180 = arith.index_cast %scan3A_92 : i32 to index
        %get3A_181 = arith.constant 128 : index
        %get3A_182 = tpu.vector_load %arg7[%get3A_180, %get3A_181] {strides = array<i32>} : memref<128x256xi32, #tpu.memory_space<vmem>>, vector<1x16xi32>,
        %get3A_183 = vector.shape_cast %get3A_182 : vector<1x16xi32> to vector<16xi32>
        %get3A_184 = arith.index_cast %scan3A_92 : i32 to index
        %get3A_185 = arith.constant 144 : index
        %get3A_186 = tpu.vector_load %arg7[%get3A_184, %get3A_185] {strides = array<i32>} : memref<128x256xi32, #tpu.memory_space<vmem>>, vector<1x16xi32>,
        %get3A_187 = vector.shape_cast %get3A_186 : vector<1x16xi32> to vector<16xi32>
        %add3A_188 = vector.broadcast %scan3A_73 : i32 to vector<16xi32>
        %add3A_189 = arith.addi %get3A_183, %add3A_188 : vector<16xi32>
        %shift_right_logical3A_190 = arith.constant 16 : i32
        %shift_right_logical3A_191 = vector.broadcast %shift_right_logical3A_190 : i32 to vector<16xi32>
        %shift_right_logical3A_192 = arith.shrui %add3A_189, %shift_right_logical3A_191 : vector<16xi32>
        %add3A_193 = vector.broadcast %scan3A_73 : i32 to vector<16xi32>
        %add3A_194 = arith.addi %get3A_187, %add3A_193 : vector<16xi32>
        %and3A_195 = vector.broadcast %scan3A_74 : i32 to vector<16xi32>
        %and3A_196 = arith.andi %add3A_194, %and3A_195 : vector<16xi32>
        %or3A_197 = arith.ori %shift_right_logical3A_192, %and3A_196 : vector<16xi32>
        %swap3A_198 = arith.index_cast %scan3A_92 : i32 to index
        %swap3A_199 = arith.constant 64 : index
        %swap3A_200 = tpu.vector_load %arg9[%swap3A_198, %swap3A_199] {strides = array<i32>} : memref<128x128xi32, #tpu.memory_space<vmem>>, vector<1x16xi32>,
        %swap3A_201 = vector.shape_cast %swap3A_200 : vector<1x16xi32> to vector<16xi32>
        %swap3A_202 = vector.shape_cast %or3A_197 : vector<16xi32> to vector<1x16xi32>
        tpu.vector_store %arg9[%swap3A_198, %swap3A_199], %swap3A_202 {strides = array<i32>} : memref<128x128xi32, #tpu.memory_space<vmem>>, vector<1x16xi32>,
        %get3A_203 = arith.index_cast %scan3A_92 : i32 to index
        %get3A_204 = arith.constant 160 : index
        %get3A_205 = tpu.vector_load %arg7[%get3A_203, %get3A_204] {strides = array<i32>} : memref<128x256xi32, #tpu.memory_space<vmem>>, vector<1x16xi32>,
        %get3A_206 = vector.shape_cast %get3A_205 : vector<1x16xi32> to vector<16xi32>
        %get3A_207 = arith.index_cast %scan3A_92 : i32 to index
        %get3A_208 = arith.constant 176 : index
        %get3A_209 = tpu.vector_load %arg7[%get3A_207, %get3A_208] {strides = array<i32>} : memref<128x256xi32, #tpu.memory_space<vmem>>, vector<1x16xi32>,
        %get3A_210 = vector.shape_cast %get3A_209 : vector<1x16xi32> to vector<16xi32>
        %add3A_211 = vector.broadcast %scan3A_73 : i32 to vector<16xi32>
        %add3A_212 = arith.addi %get3A_206, %add3A_211 : vector<16xi32>
        %shift_right_logical3A_213 = arith.constant 16 : i32
        %shift_right_logical3A_214 = vector.broadcast %shift_right_logical3A_213 : i32 to vector<16xi32>
        %shift_right_logical3A_215 = arith.shrui %add3A_212, %shift_right_logical3A_214 : vector<16xi32>
        %add3A_216 = vector.broadcast %scan3A_73 : i32 to vector<16xi32>
        %add3A_217 = arith.addi %get3A_210, %add3A_216 : vector<16xi32>
        %and3A_218 = vector.broadcast %scan3A_74 : i32 to vector<16xi32>
        %and3A_219 = arith.andi %add3A_217, %and3A_218 : vector<16xi32>
        %or3A_220 = arith.ori %shift_right_logical3A_215, %and3A_219 : vector<16xi32>
        %swap3A_221 = arith.index_cast %scan3A_92 : i32 to index
        %swap3A_222 = arith.constant 80 : index
        %swap3A_223 = tpu.vector_load %arg9[%swap3A_221, %swap3A_222] {strides = array<i32>} : memref<128x128xi32, #tpu.memory_space<vmem>>, vector<1x16xi32>,
        %swap3A_224 = vector.shape_cast %swap3A_223 : vector<1x16xi32> to vector<16xi32>
        %swap3A_225 = vector.shape_cast %or3A_220 : vector<16xi32> to vector<1x16xi32>
        tpu.vector_store %arg9[%swap3A_221, %swap3A_222], %swap3A_225 {strides = array<i32>} : memref<128x128xi32, #tpu.memory_space<vmem>>, vector<1x16xi32>,
        %get3A_226 = arith.index_cast %scan3A_92 : i32 to index
        %get3A_227 = arith.constant 192 : index
        %get3A_228 = tpu.vector_load %arg7[%get3A_226, %get3A_227] {strides = array<i32>} : memref<128x256xi32, #tpu.memory_space<vmem>>, vector<1x16xi32>,
        %get3A_229 = vector.shape_cast %get3A_228 : vector<1x16xi32> to vector<16xi32>
        %get3A_230 = arith.index_cast %scan3A_92 : i32 to index
        %get3A_231 = arith.constant 208 : index
        %get3A_232 = tpu.vector_load %arg7[%get3A_230, %get3A_231] {strides = array<i32>} : memref<128x256xi32, #tpu.memory_space<vmem>>, vector<1x16xi32>,
        %get3A_233 = vector.shape_cast %get3A_232 : vector<1x16xi32> to vector<16xi32>
        %add3A_234 = vector.broadcast %scan3A_73 : i32 to vector<16xi32>
        %add3A_235 = arith.addi %get3A_229, %add3A_234 : vector<16xi32>
        %shift_right_logical3A_236 = arith.constant 16 : i32
        %shift_right_logical3A_237 = vector.broadcast %shift_right_logical3A_236 : i32 to vector<16xi32>
        %shift_right_logical3A_238 = arith.shrui %add3A_235, %shift_right_logical3A_237 : vector<16xi32>
        %add3A_239 = vector.broadcast %scan3A_73 : i32 to vector<16xi32>
        %add3A_240 = arith.addi %get3A_233, %add3A_239 : vector<16xi32>
        %and3A_241 = vector.broadcast %scan3A_74 : i32 to vector<16xi32>
        %and3A_242 = arith.andi %add3A_240, %and3A_241 : vector<16xi32>
        %or3A_243 = arith.ori %shift_right_logical3A_238, %and3A_242 : vector<16xi32>
        %swap3A_244 = arith.index_cast %scan3A_92 : i32 to index
        %swap3A_245 = arith.constant 96 : index
        %swap3A_246 = tpu.vector_load %arg9[%swap3A_244, %swap3A_245] {strides = array<i32>} : memref<128x128xi32, #tpu.memory_space<vmem>>, vector<1x16xi32>,
        %swap3A_247 = vector.shape_cast %swap3A_246 : vector<1x16xi32> to vector<16xi32>
        %swap3A_248 = vector.shape_cast %or3A_243 : vector<16xi32> to vector<1x16xi32>
        tpu.vector_store %arg9[%swap3A_244, %swap3A_245], %swap3A_248 {strides = array<i32>} : memref<128x128xi32, #tpu.memory_space<vmem>>, vector<1x16xi32>,
        %get3A_249 = arith.index_cast %scan3A_92 : i32 to index
        %get3A_250 = arith.constant 224 : index
        %get3A_251 = tpu.vector_load %arg7[%get3A_249, %get3A_250] {strides = array<i32>} : memref<128x256xi32, #tpu.memory_space<vmem>>, vector<1x16xi32>,
        %get3A_252 = vector.shape_cast %get3A_251 : vector<1x16xi32> to vector<16xi32>
        %get3A_253 = arith.index_cast %scan3A_92 : i32 to index
        %get3A_254 = arith.constant 240 : index
        %get3A_255 = tpu.vector_load %arg7[%get3A_253, %get3A_254] {strides = array<i32>} : memref<128x256xi32, #tpu.memory_space<vmem>>, vector<1x16xi32>,
        %get3A_256 = vector.shape_cast %get3A_255 : vector<1x16xi32> to vector<16xi32>
        %add3A_257 = vector.broadcast %scan3A_73 : i32 to vector<16xi32>
        %add3A_258 = arith.addi %get3A_252, %add3A_257 : vector<16xi32>
        %shift_right_logical3A_259 = arith.constant 16 : i32
        %shift_right_logical3A_260 = vector.broadcast %shift_right_logical3A_259 : i32 to vector<16xi32>
        %shift_right_logical3A_261 = arith.shrui %add3A_258, %shift_right_logical3A_260 : vector<16xi32>
        %add3A_262 = vector.broadcast %scan3A_73 : i32 to vector<16xi32>
        %add3A_263 = arith.addi %get3A_256, %add3A_262 : vector<16xi32>
        %and3A_264 = vector.broadcast %scan3A_74 : i32 to vector<16xi32>
        %and3A_265 = arith.andi %add3A_263, %and3A_264 : vector<16xi32>
        %or3A_266 = arith.ori %shift_right_logical3A_261, %and3A_265 : vector<16xi32>
        %swap3A_267 = arith.index_cast %scan3A_92 : i32 to index
        %swap3A_268 = arith.constant 112 : index
        %swap3A_269 = tpu.vector_load %arg9[%swap3A_267, %swap3A_268] {strides = array<i32>} : memref<128x128xi32, #tpu.memory_space<vmem>>, vector<1x16xi32>,
        %swap3A_270 = vector.shape_cast %swap3A_269 : vector<1x16xi32> to vector<16xi32>
        %swap3A_271 = vector.shape_cast %or3A_266 : vector<16xi32> to vector<1x16xi32>
        tpu.vector_store %arg9[%swap3A_267, %swap3A_268], %swap3A_271 {strides = array<i32>} : memref<128x128xi32, #tpu.memory_space<vmem>>, vector<1x16xi32>,
      }
      %scan3A_79 = arith.constant 128 : i32
      %gt3A_80 = arith.constant 0 : i32
      %gt3A_81 = arith.cmpi sgt, %scan3A_23, %gt3A_80 : i32
      %convert_element_type3A_82 = arith.extui %gt3A_81 : i1 to i32
      %cond3A_83 = arith.constant 0 : i32
      %cond3A_84 = arith.cmpi ne, %convert_element_type3A_82, %cond3A_83 : i32
      scf.if %cond3A_84 {
        %sub3A = arith.constant 2 : i32
        %sub3A_92 = arith.subi %add3A_58, %sub3A : i32
        %mul3A_93 = arith.constant 128 : i32
        %mul3A_94 = arith.muli %sub3A_92, %mul3A_93 : i32
        %add3A_95 = arith.addi %mul3A_2, %mul3A_94 : i32
        %dma_wait3A_96 = arith.constant 0 : i32
        %dma_wait3A_97 = tpu.memref_slice %arg4[%add3A_95, %dma_wait3A_96] : memref<229376x128xi32, #tpu.memory_space<hbm>> -> memref<128x128xi32, #tpu.memory_space<hbm>>
        %dma_wait3A_98 = arith.constant 0 : i32
        %dma_wait3A_99 = tpu.memref_slice %arg4[%add3A_95, %dma_wait3A_98] : memref<229376x128xi32, #tpu.memory_space<hbm>> -> memref<128x128xi32, #tpu.memory_space<hbm>>
        tpu.wait_dma2 semaphore(%arg13 : memref<!tpu.dma_semaphore, #tpu.memory_space<semaphore_mem>>) src(%arg9 : memref<128x128xi32, #tpu.memory_space<vmem>>) dst(%dma_wait3A_99 : memref<128x128xi32, #tpu.memory_space<hbm>>)
      } else {
      }
      %mul3A_85 = arith.constant 128 : i32
      %mul3A_86 = arith.muli %add3A_58, %mul3A_85 : i32
      %add3A_87 = arith.addi %mul3A_2, %mul3A_86 : i32
      %dma_start3A_88 = arith.constant 0 : i32
      %dma_start3A_89 = tpu.memref_slice %arg4[%add3A_87, %dma_start3A_88] : memref<229376x128xi32, #tpu.memory_space<hbm>> -> memref<128x128xi32, #tpu.memory_space<hbm>>
      %dma_start3A_90 = arith.constant 0 : i32
      %dma_start3A_91 = tpu.memref_slice %arg4[%add3A_87, %dma_start3A_90] : memref<229376x128xi32, #tpu.memory_space<hbm>> -> memref<128x128xi32, #tpu.memory_space<hbm>>
      tpu.enqueue_dma source(%arg9 : memref<128x128xi32, #tpu.memory_space<vmem>>) target(%dma_start3A_91 : memref<128x128xi32, #tpu.memory_space<hbm>>) target_semaphore(%arg13 : memref<!tpu.dma_semaphore, #tpu.memory_space<semaphore_mem>>)
    }
    %scan3A_11 = arith.constant 28 : i32
    %add3A_12 = arith.constant 6912 : i32
    %add3A_13 = arith.addi %mul3A_2, %add3A_12 : i32
    %dma_wait3A = arith.constant 0 : i32
    %dma_wait3A_14 = tpu.memref_slice %arg4[%add3A_13, %dma_wait3A] : memref<229376x128xi32, #tpu.memory_space<hbm>> -> memref<128x128xi32, #tpu.memory_space<hbm>>
    %dma_wait3A_15 = arith.constant 0 : i32
    %dma_wait3A_16 = tpu.memref_slice %arg4[%add3A_13, %dma_wait3A_15] : memref<229376x128xi32, #tpu.memory_space<hbm>> -> memref<128x128xi32, #tpu.memory_space<hbm>>
    tpu.wait_dma2 semaphore(%arg12 : memref<!tpu.dma_semaphore, #tpu.memory_space<semaphore_mem>>) src(%arg8 : memref<128x128xi32, #tpu.memory_space<vmem>>) dst(%dma_wait3A_16 : memref<128x128xi32, #tpu.memory_space<hbm>>)
    %add3A_17 = arith.constant 7040 : i32
    %add3A_18 = arith.addi %mul3A_2, %add3A_17 : i32
    %dma_wait3A_19 = arith.constant 0 : i32
    %dma_wait3A_20 = tpu.memref_slice %arg4[%add3A_18, %dma_wait3A_19] : memref<229376x128xi32, #tpu.memory_space<hbm>> -> memref<128x128xi32, #tpu.memory_space<hbm>>
    %dma_wait3A_21 = arith.constant 0 : i32
    %dma_wait3A_22 = tpu.memref_slice %arg4[%add3A_18, %dma_wait3A_21] : memref<229376x128xi32, #tpu.memory_space<hbm>> -> memref<128x128xi32, #tpu.memory_space<hbm>>
    tpu.wait_dma2 semaphore(%arg13 : memref<!tpu.dma_semaphore, #tpu.memory_space<semaphore_mem>>) src(%arg9 : memref<128x128xi32, #tpu.memory_space<vmem>>) dst(%dma_wait3A_22 : memref<128x128xi32, #tpu.memory_space<hbm>>)
    return
  }
}

module attributes {stable_mosaic.version = 14 : i64} {
  func.func @_tc_matmul_body(%arg0: i32, %arg1: memref<3584x128xi32, #tpu.memory_space<vmem>>, %arg2: memref<64x128xf32, #tpu.memory_space<vmem>>, %arg3: memref<64x128xf32, #tpu.memory_space<vmem>>, %arg4: memref<1x64xf32, #tpu.memory_space<vmem>>, %arg5: memref<64x56x64xf32, #tpu.memory_space<vmem>>) attributes {dimension_semantics = [#tpu.dimension_semantics<arbitrary>], iteration_bounds = array<i64: 64>, scalar_prefetch = 0 : i64, scratch_operands = 0 : i64, tpu.core_type = #tpu.core_type<tc>, window_params = [{transform_indices = @transform_0, window_bounds = array<i64: 3584, 128>}, {pipeline_mode = #tpu.pipeline_mode<synchronous>, transform_indices = @transform_1, window_bounds = array<i64: 64, 128>}, {pipeline_mode = #tpu.pipeline_mode<synchronous>, transform_indices = @transform_2, window_bounds = array<i64: 64, 128>}, {pipeline_mode = #tpu.pipeline_mode<synchronous>, transform_indices = @transform_3, window_bounds = array<i64: 1, 64>}, {transform_indices = @transform_4, window_bounds = array<i64: 64, 56, 64>}]} {
    %get3A = arith.constant 0 : index
    %get3A_0 = arith.constant 0 : index
    %get3A_1 = vector.load %arg1[%get3A, %get3A_0] : memref<3584x128xi32, #tpu.memory_space<vmem>>, vector<3584x128xi32>
    %shift_left3A = arith.constant 16 : i32
    %shift_left3A_2 = vector.broadcast %shift_left3A : i32 to vector<3584x128xi32>
    %shift_left3A_3 = arith.shli %get3A_1, %shift_left3A_2 : vector<3584x128xi32>
    %bitcast_convert_type3A = tpu.bitcast %shift_left3A_3 : vector<3584x128xi32> -> vector<3584x128xf32>
    %and3A = arith.constant -65536 : i32
    %and3A_4 = vector.broadcast %and3A : i32 to vector<3584x128xi32>
    %and3A_5 = arith.andi %get3A_1, %and3A_4 : vector<3584x128xi32>
    %bitcast_convert_type3A_6 = tpu.bitcast %and3A_5 : vector<3584x128xi32> -> vector<3584x128xf32>
    %get3A_7 = arith.constant 0 : index
    %get3A_8 = arith.constant 0 : index
    %get3A_9 = vector.load %arg2[%get3A_7, %get3A_8] : memref<64x128xf32, #tpu.memory_space<vmem>>, vector<64x128xf32>
    %dot_general3A = arith.constant dense<0.000000e+00> : vector<3584x64xf32>
    %dot_general3A_10 = tpu.matmul %bitcast_convert_type3A, %get3A_9, %dot_general3A {dimension_numbers = #tpu.dot_dimension_numbers<[1], [1], [0], [0], [0, 0, 1, 0], [], []>, transpose_lhs_hint = false} : vector<3584x128xf32>, vector<64x128xf32>, vector<3584x64xf32> -> vector<3584x64xf32>
    %get3A_11 = arith.constant 0 : index
    %get3A_12 = arith.constant 0 : index
    %get3A_13 = vector.load %arg3[%get3A_11, %get3A_12] : memref<64x128xf32, #tpu.memory_space<vmem>>, vector<64x128xf32>
    %dot_general3A_14 = arith.constant dense<0.000000e+00> : vector<3584x64xf32>
    %dot_general3A_15 = tpu.matmul %bitcast_convert_type3A_6, %get3A_13, %dot_general3A_14 {dimension_numbers = #tpu.dot_dimension_numbers<[1], [1], [0], [0], [0, 0, 1, 0], [], []>, transpose_lhs_hint = false} : vector<3584x128xf32>, vector<64x128xf32>, vector<3584x64xf32> -> vector<3584x64xf32>
    %add3A = arith.addf %dot_general3A_10, %dot_general3A_15 : vector<3584x64xf32>
    %get3A_16 = arith.constant 0 : index
    %get3A_17 = arith.constant 0 : index
    %get3A_18 = vector.load %arg4[%get3A_16, %get3A_17] : memref<1x64xf32, #tpu.memory_space<vmem>>, vector<1x64xf32>
    %add3A_19 = vector.broadcast %get3A_18 : vector<1x64xf32> to vector<3584x64xf32>
    %add3A_20 = arith.addf %add3A, %add3A_19 : vector<3584x64xf32>
    %reshape3A = vector.shape_cast %add3A_20 : vector<3584x64xf32> to vector<64x56x64xf32>
    %swap3A = arith.constant 0 : index
    %swap3A_21 = arith.constant 0 : index
    %swap3A_22 = arith.constant 0 : index
    %swap3A_23 = vector.load %arg5[%swap3A, %swap3A_21, %swap3A_22] : memref<64x56x64xf32, #tpu.memory_space<vmem>>, vector<64x56x64xf32>
    tpu.vector_store %arg5[%swap3A, %swap3A_21, %swap3A_22], %reshape3A {strides = array<i32>} : memref<64x56x64xf32, #tpu.memory_space<vmem>>, vector<64x56x64xf32>,
    return
  }
  func.func @transform_0(%arg0: i32) -> (i32, i32) {
    %c0_i32 = arith.constant 0 : i32
    %c0_i32_0 = arith.constant 0 : i32
    return %arg0, %c0_i32 : i32, i32
  }
  func.func @transform_1(%arg0: i32) -> (i32, i32) {
    %c0_i32 = arith.constant 0 : i32
    %c0_i32_0 = arith.constant 0 : i32
    %c0_i32_1 = arith.constant 0 : i32
    return %c0_i32, %c0_i32_0 : i32, i32
  }
  func.func @transform_2(%arg0: i32) -> (i32, i32) {
    %c0_i32 = arith.constant 0 : i32
    %c0_i32_0 = arith.constant 0 : i32
    %c0_i32_1 = arith.constant 0 : i32
    return %c0_i32, %c0_i32_0 : i32, i32
  }
  func.func @transform_3(%arg0: i32) -> (i32, i32) {
    %c0_i32 = arith.constant 0 : i32
    %c0_i32_0 = arith.constant 0 : i32
    %c0_i32_1 = arith.constant 0 : i32
    return %c0_i32, %c0_i32_0 : i32, i32
  }
  func.func @transform_4(%arg0: i32) -> (i32, i32, i32) {
    %c0_i32 = arith.constant 0 : i32
    %c0_i32_0 = arith.constant 0 : i32
    %c0_i32_1 = arith.constant 0 : i32
    return %arg0, %c0_i32, %c0_i32_0 : i32, i32, i32
  }
}

</mosaic_0001>

<sc_bundles>
// kernel: kernel.4.cloned.1.call-start
scs
__scs_entry_jumppad:
0x0: {  	(pc) =	sbr.rel $0x88, $3  }
0x1: {  	(tag) =	ssettag $0x0;
	lr =	simm.s32 $0x1  }
0x2: {  	[smem:$0x3F9D] =	sst lr;
	_ =	strace $0xD0000000  }
0x3: {  	_ = 	snop  }
0x4: {  	_ = 	snop  }
0x5: {  	_ = 	snop  }
0x6: {  	_ = 	snop  }
0x7: {  	_ = 	snop  }
__scs_overlays_trampoline_lowered:
0x8: {  	[smem:$0x3FAC] =	sst s0  }
0x9: {  	[smem:$0x3FAD] =	sst s1  }
0xa: {  	[smem:$0x3FAE] =	sst s2  }
0xb: {  	[smem:$0x3FAF] =	sst s3  }
0xc: {  	[smem:$0x3FB0] =	sst s4  }
0xd: {  	[smem:$0x3FB1] =	sst s5  }
0xe: {  	[smem:$0x3FB2] =	sst s6  }
0xf: {  	[smem:$0x3FB3] =	sst s7  }
0x10: {  	[smem:$0x3FB4] =	sst s8  }
0x11: {  	[smem:$0x3FB5] =	sst s9;
	s0 =	simm.s32 @!p0 $0x0  }
0x12: {  	s1 =	sld [smem:$0x3F9B];
	s0 =	simm.s32 @p0 $0x1  }
0x13: {  	[smem:$0x3FB6] =	sst s0;
	s0 =	simm.s32 @!p1 $0x0  }
0x14: {  	s2 =	sld [smem:$0x3F9A];
	s0 =	simm.s32 @p1 $0x1  }
0x15: {  	[smem:$0x3FB7] =	sst s0;
	s0 =	simm.s32 @!p2 $0x0  }
0x16: {  	s3 =	sld [smem:$0x3FDB];
	s0 =	simm.s32 @p2 $0x1  }
0x17: {  	s4 =	simm.s32 $0x1BF5;
	[smem:$0x3FB9] =	sst s0  }
0x18: {  	s0 =	sld [smem:$0x3F9C];
	_ =	swait.ge [sflag:s4], $0x0  }
0x19: {  	s7 =	sld [smem:$0x3F9D]  }
0x1a: {  	s8 =	sadd.s32 $0xFFFFE003, lr  }
0x1b: {  	s9 =	sadd.s32 $0xFFFFFEF7, lr;
	s5 =	simm.s32 $0xFFFFFFFF;
	p2 =	slt.u32 s8, $0xFFFFF086  }
0x1c: {  	p1 =	slt.u32 s9, $0xF7A;
	s5 =	simm.s32 @!p2 $0x0  }
0x1d: {  	s5 =	simm.s32 @p1 $0x1;
	p0 =	seq.s32 s7, s2  }
0x1e: {  	s7 =	smul.u32 @!p0 $0xF7A, s2;
	p2 =	seq.s32 @!p0 s5, $0x0  }
0x1f: {  	s9 =	smul.u32 $0xF7A, s1;
	s8 =	simm.s32 @!p0 $0x1BF5;
	p2 =	por !p2, p0  }
0x20: {  	[sflag:s8] =	ssyncset.s32 @!p0 $0xFFFFF086;
	s6 =	sadd.s32 @!p0 s3, s7;
	s7 =	simm.s32 @!p0 $0x108  }
0x21: {  	s3 =	sadd.s32 s3, s9;
	s6 =	sadd.s32 @!p0 $0x88, s6;
	s7 =	simm.s32 @p2 $0x1082  }
0x22: {  	[simem:s7], [sflag:s8] =	dma.local @!p0 [hbm:s6], $0xF7A  }
0x23: {  	s9 =	sor.u32 $0xD0000000, s2;
	s6 =	simm.s32 $0x108;
	_ =	swait.ge @!p0 [sflag:s8], $0x0  }
0x24: {  	s3 =	sadd.s32 $0x88, s3;
	s6 =	simm.s32 @!p1 $0x1082;
	[sflag:s4] =	ssyncset.s32 $0xFFFFF086  }
0x25: {  	[simem:s6], [sflag:s4] =	dma.local [hbm:s3], $0xF7A  }
0x26: {  	[smem:$0x3F9D] =	sst s1;
	(tag) =	ssettag s2;
	_ =	strace s9  }
0x27: {  	s1 =	sld [smem:$0x3FAD]  }
0x28: {  	s2 =	sld [smem:$0x3FAE]  }
0x29: {  	s4 =	sld [smem:$0x3FB0]  }
0x2a: {  	p0 =	seq.s32 s5, $0x0;
	s5 =	sld [smem:$0x3FB1]  }
0x2b: {  	s6 =	sld [smem:$0x3FB2]  }
0x2c: {  	s7 =	sld [smem:$0x3FB3]  }
0x2d: {  	s3 =	simm.s32 $0x108;
	s8 =	sld [smem:$0x3FB4]  }
0x2e: {  	s3 =	simm.s32 @!p0 $0x1082;
	s9 =	sld [smem:$0x3FB5]  }
0x2f: {  	lr =	sadd.s32 s0, s3;
	s0 =	sld [smem:$0x3FAC]  }
0x30: {  	s3 =	sld [smem:$0x3FAF]  }
0x31: {  	[smem:$0x3FB8] =	sst s10  }
0x32: {  	s10 =	sld [smem:$0x3FB6];
	_ =	sdelay $0x3  }
0x33: {  	p0 =	seq.s32 s10, $0x1;
	s10 =	sld [smem:$0x3FB8];
	_ =	sdelay $0x3  }
0x34: {  	[smem:$0x3FB8] =	sst s10  }
0x35: {  	s10 =	sld [smem:$0x3FB7];
	_ =	sdelay $0x3  }
0x36: {  	p1 =	seq.s32 s10, $0x1;
	s10 =	sld [smem:$0x3FB8];
	_ =	sdelay $0x3  }
0x37: {  	[smem:$0x3FB8] =	sst s10  }
0x38: {  	s10 =	sld [smem:$0x3FB9]  }
0x39: {  	_ = 	snop;
	(pc) =	sbr.ind lr, $3  }
0x3a: {  	_ = 	snop  }
0x3b: {  	_ = 	snop  }
0x3c: {  	p2 =	seq.s32 s10, $0x1;
	s10 =	sld [smem:$0x3FB8]  }
0x3d: {  	_ =	shalt  }
0x3e: {  	_ =	shalt  }
0x3f: {  	_ =	shalt  }
0x40: {  	_ =	shalt  }
0x41: {  	_ =	shalt  }
0x42: {  	_ =	shalt  }
0x43: {  	_ =	shalt  }
0x44: {  	_ =	shalt  }
0x45: {  	_ =	shalt  }
0x46: {  	_ =	shalt  }
0x47: {  	_ =	shalt  }
0x48: {  	_ =	shalt  }
0x49: {  	_ =	shalt  }
0x4a: {  	_ =	shalt  }
0x4b: {  	_ =	shalt  }
0x4c: {  	_ =	shalt  }
0x4d: {  	_ =	shalt  }
0x4e: {  	_ =	shalt  }
0x4f: {  	_ =	shalt  }
0x50: {  	_ =	shalt  }
0x51: {  	_ =	shalt  }
0x52: {  	_ =	shalt  }
0x53: {  	_ =	shalt  }
0x54: {  	_ =	shalt  }
0x55: {  	_ =	shalt  }
0x56: {  	_ =	shalt  }
0x57: {  	_ =	shalt  }
0x58: {  	_ =	shalt  }
0x59: {  	_ =	shalt  }
0x5a: {  	_ =	shalt  }
0x5b: {  	_ =	shalt  }
0x5c: {  	_ =	shalt  }
0x5d: {  	_ =	shalt  }
0x5e: {  	_ =	shalt  }
0x5f: {  	_ =	shalt  }
0x60: {  	_ =	shalt  }
0x61: {  	_ =	shalt  }
0x62: {  	_ =	shalt  }
0x63: {  	_ =	shalt  }
0x64: {  	_ =	shalt  }
0x65: {  	_ =	shalt  }
0x66: {  	_ =	shalt  }
0x67: {  	_ =	shalt  }
0x68: {  	_ =	shalt  }
0x69: {  	_ =	shalt  }
0x6a: {  	_ =	shalt  }
0x6b: {  	_ =	shalt  }
0x6c: {  	_ =	shalt  }
0x6d: {  	_ =	shalt  }
0x6e: {  	_ =	shalt  }
0x6f: {  	_ =	shalt  }
0x70: {  	_ =	shalt  }
0x71: {  	_ =	shalt  }
0x72: {  	_ =	shalt  }
0x73: {  	_ =	shalt  }
0x74: {  	_ =	shalt  }
0x75: {  	_ =	shalt  }
0x76: {  	_ =	shalt  }
0x77: {  	_ =	shalt  }
0x78: {  	_ =	shalt  }
0x79: {  	_ =	shalt  }
0x7a: {  	_ =	shalt  }
0x7b: {  	_ =	shalt  }
0x7c: {  	_ =	shalt  }
0x7d: {  	_ =	shalt  }
0x7e: {  	_ =	shalt  }
0x7f: {  	_ =	shalt  }
0x80: {  	_ =	shalt  }
0x81: {  	_ =	shalt  }
0x82: {  	_ =	shalt  }
0x83: {  	_ =	shalt  }
0x84: {  	_ =	shalt  }
0x85: {  	_ =	shalt  }
0x86: {  	_ =	shalt  }
0x87: {  	_ =	shalt  }
.Lfunc_end0:
.L_simem_size_0:
called_computation.1_lowered:
.L_overlay_start_0:
0x88: {  	s2 =	sld [smem:$0x3FD9]  }
0x89: {  	s3 =	sld [smem:$0x3FFE];
	_ =	sdelay $0x1  }
0x8a: {  	s1 =	srdreg.scid  }
0x8b: {  	s0 =	sand.u32 $0x1, s1  }
0x8c: {  	s17 =	sshll.u32 s0, $0xA;
	s2 =	sadd.s32 s3, s2  }
0x8d: {  	s2 =	sadd.s32 s2, s17  }
0x8e: {  	[smem:$0x3FC4] =	sst s2  }
0x8f: {  	_ = 	snop  }
0x90: {  	s2 =	sld [smem:$0x3FD0];
	(tm) =	ssettm $0x1  }
0x91: {  	s18 =	sld [smem:$0x3FFB];
	_ =	sdelay $0x3  }
0x92: {  	_ =	strace s18  }
0x93: {  	s3 =	sld [smem:$0x3FFC];
	_ =	sdelay $0x3  }
0x94: {  	_ =	strace s3  }
0x95: {  	s3 =	sld [smem:$0x3FFD];
	_ =	sdelay $0x3  }
0x96: {  	_ =	strace s3  }
0x97: {  	_ =	strace $0x8FFFFFFF  }
0x98: {  	s19 =	sld [smem:$0x3FDB];
	_ =	sdelay $0x1  }
0x99: {  	s4 =	simm.s32 $_scs_section_size  }
0x9a: {  	s5 =	simm.s32 $_size__tile_overlayer_lowered;
	s6 =	simm.s32 $_tile_overlayer_lowered  }
0x9b: {  	s22 =	simm.s32 $0x1BFF;
	s21 =	sshll.u32 s6, $0x1;
	s3 =	sadd.s32 s4, s19  }
0x9c: {  	s7 =	simm.s32 $0x0;
	s20 =	sshll.u32 s5, $0x1;
	s5 =	sadd.s32 s21, s3  }
0x9d: {  	[timem:s7], [sflag:s22] =	dma.local [hbm:s5], s20  }
0x9e: {  	_ =	swait.ge [sflag:s22], s20  }
0x9f: {  	s4 =	ssub.s32 $0x0, s20;
	[sflag:s22] =	ssyncset.done $0x0  }
0xa0: {  	[sflag:s22] =	ssyncadd.s32 s4;
	_ =	sdelay $0x1  }
0xa1: {  	s23 =	simm.s32 $0x1B8B  }
0xa2: {  	_ =	swait.ge [sflag:s23], $0x1  }
0xa3: {  	[sflag:s23] =	ssyncset.done $0x0  }
0xa4: {  	s25 =	simm.s32 $0x1B8E;
	s24 =	sld [smem:$0x3FFE];
	[sflag:s23] =	ssyncadd.s32 $0xFFFFFFFF  }
0xa5: {  	s26 =	simm.s32 $execute0_lowered;
	[smem:$0x3FD2] =	sst s25  }
0xa6: {  	s5 =	sshll.u32 s26, $0x1;
	_ =	strace $0x80000046;
	[dreg:$0x1] =	wrdreg $0xFFFFFFFF  }
0xa7: {  	s28 =	simm.s32 $_size_execute0_lowered;
	s3 =	sadd.s32 s3, s5;
	[dreg:$0x0] =	wrdreg $0x0  }
0xa8: {  	s5 =	sshll.u32 s28, $0x1;
	[dreg:$0x2] =	wrdreg s3  }
0xa9: {  	[dreg:$0x3] =	wrdreg s5  }
0xaa: {  	[dreg:$0x4] =	wrdreg $0xC0  }
0xab: {  	_ =	task [dreg:s7], $0x5FFFF  }
0xac: {  	[dreg:$0x1] =	wrdreg $0xFFFFFFFF  }
0xad: {  	[dreg:$0x0] =	wrdreg $0x60  }
0xae: {  	[dreg:$0x2] =	wrdreg s24  }
0xaf: {  	[dreg:$0x3] =	wrdreg s2  }
0xb0: {  	[dreg:$0x4] =	wrdreg $0x9  }
0xb1: {  	_ =	task.clear_ibuf [dreg:s7], $0x5FFFF;
	_ =	strace $0x90000046  }
0xb2: {  	s29 =	simm.s32 $0x9;
	_ =	strace $0x80000048  }
0xb3: {  	_ =	swait.ge [sflag:s29], $0x1  }
0xb4: {  	[sflag:s29] =	ssyncadd.s32 $0xFFFFFFFF  }
0xb5: {  	_ =	strace $0x90000048  }
0xb6: {  	_ =	sfence  }
0xb7: {  	s30 =	sld [smem:$0x0];
	_ =	sdelay $0x2  }
0xb8: {  	s31 =	sshll.u32 s1, $0xD;
	s1 =	sshrl.u32 s1, $0x2  }
0xb9: {  	s3 =	sand.u32 $0x4000, s31;
	s1 =	sadd.s32 s1, s30  }
0xba: {  	s0 =	sor.u32 s3, s0;
	s1 =	sshll.u32 s1, $0x11  }
0xbb: {  	s0 =	sor.u32 s1, s0  }
0xbc: {  	s0 =	sadd.s32 $0x8F2B, s0  }
0xbd: {  	[sflag:s0] =	ssyncadd.remote.s32 $0x1  }
0xbe: {  	_ =	sfence.sel $0xFFFF  }
0xbf: {  	[dreg:$0x0] =	wrdreg $0xFFFFFFFF;
	(pc) =	sbr.abs _section_cstart, $3  }
0xc0: {  	[dreg:$0x1] =	wrdreg $0xFFFFFFFF  }
0xc1: {  	_ =	task.clear_ibuf [dreg:s7], $0x2FFFF;
	_ =	strace $0x9FFFFFFF  }
0xc2: {  	(tm) =	ssettm $0x7FFFFFFF  }
0xc3: {  	_ =	shalt  }
tec
execute0_lowered:
.L_overlay_start_1:
0x0: {  	(tag) =	ssettag $0x1  }
0x1: {  	s0 =	rddreg [dreg:$0x0];
	s1 =	srdreg.scid  }
0x2: {  	s2 =	stileid.u32;
	s5 =	rddreg [dreg:$0x1];
	s28 =	simm.s32 $0xA400  }
0x3: {  	s29 =	simm.s32 $0xAC00;
	s30 =	simm.s32 $0xB400;
	s31 =	simm.s32 $0xBC00  }
0x4: {  	s9 =	simm.s32 $0xEC00;
	s10 =	simm.s32 $0xF400;
	s11 =	simm.s32 $0xFC00  }
0x5: {  	s12 =	simm.s32 $0x10400;
	s13 =	simm.s32 $0x10C00;
	s14 =	simm.s32 $0x11400  }
0x6: {  	s15 =	simm.s32 $0x11C00;
	s16 =	simm.s32 $0x2;
	s17 =	simm.s32 $0x15C00  }
0x7: {  	s20 =	simm.s32 $0x0;
	s1 =	sand.u32 $0x1, s1;
	s3 =	sshll.u32 s2, $0x1  }
0x8: {  	s2 =	simm.s32 $0x0;
	s4 =	sadd.s32 $0x1E85600, s0;
	s6 =	sor.u32 s1, s3  }
0x9: {  	[smem:$0x7FF] =	sst s2;
	s1 =	ssub.s32 $0x2, s1;
	s3 =	sadd.s32 $0xE00, s0  }
0xa: {  	s7 =	smul.u32 $0x380, s6;
	_ =	strace $0x80000047;
	s8 =	sshrl.u32 s1, $0x1  }
0xb: {  	s6 =	smul.u32 $0xE0000, s6;
	s25 =	ssub.s32 s1, s8;
	s1 =	simm.s32 $0xC400  }
0xc: {  	v2 =	vlaneseq.u32;
	s8 =	simm.s32 $0xE400;
	s26 =	sadd.s32 s5, s7;
	s0 =	smax.u32 s25, $0x1  }
0xd: {  	vm0 =	vmmov $0xffff;
	v1 =	vshrl.u32 v2, $0x3;
	s25 =	simm.s32 $0x1;
	s5 =	simm.s32 $0xD400;
	[dreg:$0x3] =	wrdreg s26  }
0xe: {  	v0 =	vand.u32 $0x7, v2;
	v2 =	vor.u32 $0x8, v2;
	v1 =	vmul.u32 $0x8, v1;
	s7 =	simm.s32 $0xDC00;
	[dreg:$0x4] =	wrdreg s0;
	s0 =	simm.s32 $0xCC00  }
.LBB2_1:
0xf: {  	[dreg:$0x5] =	wrdreg s20  }
0x10: {  	s18 =	rddreg [dreg:$0x3];
	s23 =	simm.s32 $0x5  }
0x11: {  	[tilespmem:s2], [sflag:$0x5] =	stream.linear.gather [hbm4b:s18+s2], $0x1C00, $0x38;
	[tilespmem:$0x19C00] =	vst v63  }
0x12: {  	_ =	swait.ge [sflag:s23], $0x1C00  }
0x13: {  	[sflag:s23] =	ssyncset.done $0x0  }
0x14: {  	[sflag:s23] =	ssyncadd.s32 $0xFFFFE400  }
0x15: {  	v3 =	vld [tilespmem:$0x0];
	_ =	sdelay $0x4  }
0x16: {  	v4 =	vshll.u32 v3, $0x1  }
0x17: {  	v3 =	vand.u32 $0x7, v3;
	v4 =	vand.u32 $0xFFFFFFF0, v4  }
0x18: {  	v3 =	vor.u32 v3, v4  }
0x19: {  	v4 =	vperm.xlane v3, v0;
	_ =	sdelay $0x1  }
0x1a: {  	v3 =	vperm.xlane v3, v2;
	v4 =	vadd.s32 v1, v4;
	_ =	sdelay $0x1  }
0x1b: {  	v3 =	vadd.s32 v1, v3;
	_ =	sdelay $0x1  }
0x1c: {  	s24 =	simm.s32 $0x1C00  }
0x1d: {  	[tilespmem:s24], [sflag:$0x1] =	stream.indirect_vreg.gather [hbm4b:s3+s2], $0x80, v4, vm0, $0xb8;
	[tilespmem:$0x19C00] =	vst v63  }
0x1e: {  	s26 =	simm.s32 $0x2400  }
0x1f: {  	[tilespmem:s26], [sflag:$0x1] =	stream.indirect_vreg.gather [hbm4b:s3+s2], $0x80, v3, vm0, $0xb8;
	[tilespmem:$0x19C00] =	vst v63  }
0x20: {  	v3 =	vld [tilespmem:$0x10];
	_ =	sdelay $0x4  }
0x21: {  	v57 =	vshll.u32 v3, $0x1  }
0x22: {  	v3 =	vand.u32 $0x7, v3;
	v4 =	vand.u32 $0xFFFFFFF0, v57  }
0x23: {  	v3 =	vor.u32 v3, v4  }
0x24: {  	v4 =	vperm.xlane v3, v0;
	_ =	sdelay $0x1  }
0x25: {  	v3 =	vperm.xlane v3, v2;
	v4 =	vadd.s32 v1, v4;
	_ =	sdelay $0x1  }
0x26: {  	v3 =	vadd.s32 v1, v3;
	_ =	sdelay $0x1  }
0x27: {  	s19 =	simm.s32 $0x2C00  }
0x28: {  	[tilespmem:s19], [sflag:$0x1] =	stream.indirect_vreg.gather [hbm4b:s3+s2], $0x80, v4, vm0, $0xb8;
	[tilespmem:$0x19C00] =	vst v63  }
0x29: {  	s20 =	simm.s32 $0x3400  }
0x2a: {  	[tilespmem:s20], [sflag:$0x1] =	stream.indirect_vreg.gather [hbm4b:s3+s2], $0x80, v3, vm0, $0xb8;
	[tilespmem:$0x19C00] =	vst v63  }
0x2b: {  	v3 =	vld [tilespmem:$0x20];
	_ =	sdelay $0x4  }
0x2c: {  	v58 =	vshll.u32 v3, $0x1  }
0x2d: {  	v3 =	vand.u32 $0x7, v3;
	v4 =	vand.u32 $0xFFFFFFF0, v58  }
0x2e: {  	v3 =	vor.u32 v3, v4  }
0x2f: {  	v4 =	vperm.xlane v3, v0;
	_ =	sdelay $0x1  }
0x30: {  	v3 =	vperm.xlane v3, v2;
	v4 =	vadd.s32 v1, v4;
	_ =	sdelay $0x1  }
0x31: {  	v3 =	vadd.s32 v1, v3;
	_ =	sdelay $0x1  }
0x32: {  	s21 =	simm.s32 $0x3C00  }
0x33: {  	[tilespmem:s21], [sflag:$0x1] =	stream.indirect_vreg.gather [hbm4b:s3+s2], $0x80, v4, vm0, $0xb8;
	[tilespmem:$0x19C00] =	vst v63  }
0x34: {  	s22 =	simm.s32 $0x4400  }
0x35: {  	[tilespmem:s22], [sflag:$0x1] =	stream.indirect_vreg.gather [hbm4b:s3+s2], $0x80, v3, vm0, $0xb8;
	[tilespmem:$0x19C00] =	vst v63  }
0x36: {  	v3 =	vld [tilespmem:$0x30];
	_ =	sdelay $0x4  }
0x37: {  	v59 =	vshll.u32 v3, $0x1  }
0x38: {  	v3 =	vand.u32 $0x7, v3;
	v4 =	vand.u32 $0xFFFFFFF0, v59  }
0x39: {  	v3 =	vor.u32 v3, v4  }
0x3a: {  	v4 =	vperm.xlane v3, v0;
	_ =	sdelay $0x1  }
0x3b: {  	v3 =	vperm.xlane v3, v2;
	v4 =	vadd.s32 v1, v4;
	_ =	sdelay $0x1  }
0x3c: {  	v3 =	vadd.s32 v1, v3;
	_ =	sdelay $0x1  }
0x3d: {  	s23 =	simm.s32 $0x4C00  }
0x3e: {  	[tilespmem:s23], [sflag:$0x1] =	stream.indirect_vreg.gather [hbm4b:s3+s2], $0x80, v4, vm0, $0xb8;
	[tilespmem:$0x19C00] =	vst v63  }
0x3f: {  	s24 =	simm.s32 $0x5400  }
0x40: {  	[tilespmem:s24], [sflag:$0x1] =	stream.indirect_vreg.gather [hbm4b:s3+s2], $0x80, v3, vm0, $0xb8;
	[tilespmem:$0x19C00] =	vst v63  }
0x41: {  	v3 =	vld [tilespmem:$0x40];
	_ =	sdelay $0x4  }
0x42: {  	v60 =	vshll.u32 v3, $0x1  }
0x43: {  	v3 =	vand.u32 $0x7, v3;
	v4 =	vand.u32 $0xFFFFFFF0, v60  }
0x44: {  	v3 =	vor.u32 v3, v4  }
0x45: {  	v4 =	vperm.xlane v3, v0;
	_ =	sdelay $0x1  }
0x46: {  	v3 =	vperm.xlane v3, v2;
	v4 =	vadd.s32 v1, v4;
	_ =	sdelay $0x1  }
0x47: {  	v3 =	vadd.s32 v1, v3;
	_ =	sdelay $0x1  }
0x48: {  	s26 =	simm.s32 $0x5C00  }
0x49: {  	[tilespmem:s26], [sflag:$0x1] =	stream.indirect_vreg.gather [hbm4b:s3+s2], $0x80, v4, vm0, $0xb8;
	[tilespmem:$0x19C00] =	vst v63  }
0x4a: {  	s19 =	simm.s32 $0x6400  }
0x4b: {  	[tilespmem:s19], [sflag:$0x1] =	stream.indirect_vreg.gather [hbm4b:s3+s2], $0x80, v3, vm0, $0xb8;
	[tilespmem:$0x19C00] =	vst v63  }
0x4c: {  	v3 =	vld [tilespmem:$0x50];
	_ =	sdelay $0x4  }
0x4d: {  	v61 =	vshll.u32 v3, $0x1  }
0x4e: {  	v3 =	vand.u32 $0x7, v3;
	v4 =	vand.u32 $0xFFFFFFF0, v61  }
0x4f: {  	v3 =	vor.u32 v3, v4  }
0x50: {  	v4 =	vperm.xlane v3, v0;
	_ =	sdelay $0x1  }
0x51: {  	v3 =	vperm.xlane v3, v2;
	v4 =	vadd.s32 v1, v4;
	_ =	sdelay $0x1  }
0x52: {  	v3 =	vadd.s32 v1, v3;
	_ =	sdelay $0x1  }
0x53: {  	s20 =	simm.s32 $0x6C00  }
0x54: {  	[tilespmem:s20], [sflag:$0x1] =	stream.indirect_vreg.gather [hbm4b:s3+s2], $0x80, v4, vm0, $0xb8;
	[tilespmem:$0x19C00] =	vst v63  }
0x55: {  	s21 =	simm.s32 $0x7400  }
0x56: {  	[tilespmem:s21], [sflag:$0x1] =	stream.indirect_vreg.gather [hbm4b:s3+s2], $0x80, v3, vm0, $0xb8;
	[tilespmem:$0x19C00] =	vst v63  }
0x57: {  	v3 =	vld [tilespmem:$0x60];
	_ =	sdelay $0x4  }
0x58: {  	v62 =	vshll.u32 v3, $0x1  }
0x59: {  	v3 =	vand.u32 $0x7, v3;
	v4 =	vand.u32 $0xFFFFFFF0, v62  }
0x5a: {  	v3 =	vor.u32 v3, v4  }
0x5b: {  	v4 =	vperm.xlane v3, v0;
	_ =	sdelay $0x1  }
0x5c: {  	v3 =	vperm.xlane v3, v2;
	v4 =	vadd.s32 v1, v4;
	_ =	sdelay $0x1  }
0x5d: {  	v3 =	vadd.s32 v1, v3;
	_ =	sdelay $0x1  }
0x5e: {  	s22 =	simm.s32 $0x7C00  }
0x5f: {  	[tilespmem:s22], [sflag:$0x1] =	stream.indirect_vreg.gather [hbm4b:s3+s2], $0x80, v4, vm0, $0xb8;
	[tilespmem:$0x19C00] =	vst v63  }
0x60: {  	s23 =	simm.s32 $0x8400  }
0x61: {  	[tilespmem:s23], [sflag:$0x1] =	stream.indirect_vreg.gather [hbm4b:s3+s2], $0x80, v3, vm0, $0xb8;
	[tilespmem:$0x19C00] =	vst v63  }
0x62: {  	v3 =	vld [tilespmem:$0x70];
	_ =	sdelay $0x4  }
0x63: {  	v63 =	vshll.u32 v3, $0x1  }
0x64: {  	v3 =	vand.u32 $0x7, v3;
	v4 =	vand.u32 $0xFFFFFFF0, v63  }
0x65: {  	v3 =	vor.u32 v3, v4  }
0x66: {  	v4 =	vperm.xlane v3, v0;
	_ =	sdelay $0x1  }
0x67: {  	v3 =	vperm.xlane v3, v2;
	v4 =	vadd.s32 v1, v4;
	_ =	sdelay $0x1  }
0x68: {  	v3 =	vadd.s32 v1, v3;
	_ =	sdelay $0x1  }
0x69: {  	s24 =	simm.s32 $0x8C00  }
0x6a: {  	[tilespmem:s24], [sflag:$0x1] =	stream.indirect_vreg.gather [hbm4b:s3+s2], $0x80, v4, vm0, $0xb8;
	[tilespmem:$0x19C00] =	vst v63  }
0x6b: {  	s18 =	simm.s32 $0x0;
	s26 =	simm.s32 $0x9400  }
0x6c: {  	[tilespmem:s26], [sflag:$0x1] =	stream.indirect_vreg.gather [hbm4b:s3+s2], $0x80, v3, vm0, $0xb8;
	[tilespmem:$0x19C00] =	vst v63  }
.LBB2_2:
0x6d: {  	_ =	swait.ge [sflag:s25], $0x8000;
	s19 =	sshllo.u32 s18, $0x1  }
0x6e: {  	[sflag:s25] =	ssyncset.done $0x0;
	s20 =	sshll.u32 s19, $0x7  }
0x6f: {  	[sflag:s25] =	ssyncadd.s32 $0xFFFF8000;
	s21 =	sand.u32 $0x3FFFFF80, s20  }
0x70: {  	v3 =	vld [tilespmem:s21+$0x0];
	_ =	sdelay $0x4  }
0x71: {  	v4 =	vshll.u32 v3, $0x1  }
0x72: {  	v3 =	vand.u32 $0x7, v3;
	v4 =	vand.u32 $0xFFFFFFF0, v4  }
0x73: {  	v3 =	vor.u32 v3, v4  }
0x74: {  	v4 =	vperm.xlane v3, v0;
	_ =	sdelay $0x1  }
0x75: {  	v3 =	vperm.xlane v3, v2;
	v4 =	vadd.s32 v1, v4;
	_ =	sdelay $0x1  }
0x76: {  	v3 =	vadd.s32 v1, v3;
	_ =	sdelay $0x1  }
0x77: {  	s22 =	simm.s32 $0x9C00;
	s20 =	simm.s32 $0x0  }
0x78: {  	[tilespmem:s22], [sflag:$0x2] =	stream.indirect_vreg.gather [hbm4b:s3+s20], $0x80, v4, vm0, $0xb8;
	[tilespmem:$0x19C00] =	vst v63  }
0x79: {  	_ = 	snop  }
0x7a: {  	[tilespmem:s28], [sflag:$0x2] =	stream.indirect_vreg.gather [hbm4b:s3+s20], $0x80, v3, vm0, $0xb8;
	[tilespmem:$0x19C00] =	vst v63  }
0x7b: {  	v3 =	vld [tilespmem:s21+$0x10];
	_ =	sdelay $0x4  }
0x7c: {  	v4 =	vshll.u32 v3, $0x1  }
0x7d: {  	v3 =	vand.u32 $0x7, v3;
	v4 =	vand.u32 $0xFFFFFFF0, v4  }
0x7e: {  	v3 =	vor.u32 v3, v4  }
0x7f: {  	v4 =	vperm.xlane v3, v0;
	_ =	sdelay $0x1  }
0x80: {  	v3 =	vperm.xlane v3, v2;
	v4 =	vadd.s32 v1, v4;
	_ =	sdelay $0x1  }
0x81: {  	v3 =	vadd.s32 v1, v3;
	_ =	sdelay $0x2  }
0x82: {  	[tilespmem:s29], [sflag:$0x2] =	stream.indirect_vreg.gather [hbm4b:s3+s20], $0x80, v4, vm0, $0xb8;
	[tilespmem:$0x19C00] =	vst v63  }
0x83: {  	_ = 	snop  }
0x84: {  	[tilespmem:s30], [sflag:$0x2] =	stream.indirect_vreg.gather [hbm4b:s3+s20], $0x80, v3, vm0, $0xb8;
	[tilespmem:$0x19C00] =	vst v63  }
0x85: {  	v3 =	vld [tilespmem:s21+$0x20];
	_ =	sdelay $0x4  }
0x86: {  	v4 =	vshll.u32 v3, $0x1  }
0x87: {  	v3 =	vand.u32 $0x7, v3;
	v4 =	vand.u32 $0xFFFFFFF0, v4  }
0x88: {  	v3 =	vor.u32 v3, v4  }
0x89: {  	v4 =	vperm.xlane v3, v0;
	_ =	sdelay $0x1  }
0x8a: {  	v3 =	vperm.xlane v3, v2;
	v4 =	vadd.s32 v1, v4;
	_ =	sdelay $0x1  }
0x8b: {  	v3 =	vadd.s32 v1, v3;
	_ =	sdelay $0x2  }
0x8c: {  	[tilespmem:s31], [sflag:$0x2] =	stream.indirect_vreg.gather [hbm4b:s3+s20], $0x80, v4, vm0, $0xb8;
	[tilespmem:$0x19C00] =	vst v63  }
0x8d: {  	_ = 	snop  }
0x8e: {  	[tilespmem:s1], [sflag:$0x2] =	stream.indirect_vreg.gather [hbm4b:s3+s20], $0x80, v3, vm0, $0xb8;
	[tilespmem:$0x19C00] =	vst v63  }
0x8f: {  	v3 =	vld [tilespmem:s21+$0x30];
	_ =	sdelay $0x4  }
0x90: {  	v4 =	vshll.u32 v3, $0x1  }
0x91: {  	v3 =	vand.u32 $0x7, v3;
	v4 =	vand.u32 $0xFFFFFFF0, v4  }
0x92: {  	v3 =	vor.u32 v3, v4  }
0x93: {  	v4 =	vperm.xlane v3, v0;
	_ =	sdelay $0x1  }
0x94: {  	v3 =	vperm.xlane v3, v2;
	v4 =	vadd.s32 v1, v4;
	_ =	sdelay $0x1  }
0x95: {  	v3 =	vadd.s32 v1, v3;
	_ =	sdelay $0x2  }
0x96: {  	[tilespmem:s0], [sflag:$0x2] =	stream.indirect_vreg.gather [hbm4b:s3+s20], $0x80, v4, vm0, $0xb8;
	[tilespmem:$0x19C00] =	vst v63  }
0x97: {  	_ = 	snop  }
0x98: {  	[tilespmem:s5], [sflag:$0x2] =	stream.indirect_vreg.gather [hbm4b:s3+s20], $0x80, v3, vm0, $0xb8;
	[tilespmem:$0x19C00] =	vst v63  }
0x99: {  	v3 =	vld [tilespmem:s21+$0x40];
	_ =	sdelay $0x4  }
0x9a: {  	v4 =	vshll.u32 v3, $0x1  }
0x9b: {  	v3 =	vand.u32 $0x7, v3;
	v4 =	vand.u32 $0xFFFFFFF0, v4  }
0x9c: {  	v3 =	vor.u32 v3, v4  }
0x9d: {  	v4 =	vperm.xlane v3, v0;
	_ =	sdelay $0x1  }
0x9e: {  	v3 =	vperm.xlane v3, v2;
	v4 =	vadd.s32 v1, v4;
	_ =	sdelay $0x1  }
0x9f: {  	v3 =	vadd.s32 v1, v3;
	_ =	sdelay $0x2  }
0xa0: {  	[tilespmem:s7], [sflag:$0x2] =	stream.indirect_vreg.gather [hbm4b:s3+s20], $0x80, v4, vm0, $0xb8;
	[tilespmem:$0x19C00] =	vst v63  }
0xa1: {  	_ = 	snop  }
0xa2: {  	[tilespmem:s8], [sflag:$0x2] =	stream.indirect_vreg.gather [hbm4b:s3+s20], $0x80, v3, vm0, $0xb8;
	[tilespmem:$0x19C00] =	vst v63  }
0xa3: {  	v3 =	vld [tilespmem:s21+$0x50];
	_ =	sdelay $0x4  }
0xa4: {  	v4 =	vshll.u32 v3, $0x1  }
0xa5: {  	v3 =	vand.u32 $0x7, v3;
	v4 =	vand.u32 $0xFFFFFFF0, v4  }
0xa6: {  	v3 =	vor.u32 v3, v4  }
0xa7: {  	v4 =	vperm.xlane v3, v0;
	_ =	sdelay $0x1  }
0xa8: {  	v3 =	vperm.xlane v3, v2;
	v4 =	vadd.s32 v1, v4;
	_ =	sdelay $0x1  }
0xa9: {  	v3 =	vadd.s32 v1, v3;
	_ =	sdelay $0x2  }
0xaa: {  	[tilespmem:s9], [sflag:$0x2] =	stream.indirect_vreg.gather [hbm4b:s3+s20], $0x80, v4, vm0, $0xb8;
	[tilespmem:$0x19C00] =	vst v63  }
0xab: {  	_ = 	snop  }
0xac: {  	[tilespmem:s10], [sflag:$0x2] =	stream.indirect_vreg.gather [hbm4b:s3+s20], $0x80, v3, vm0, $0xb8;
	[tilespmem:$0x19C00] =	vst v63  }
0xad: {  	v3 =	vld [tilespmem:s21+$0x60];
	_ =	sdelay $0x4  }
0xae: {  	v4 =	vshll.u32 v3, $0x1  }
0xaf: {  	v3 =	vand.u32 $0x7, v3;
	v4 =	vand.u32 $0xFFFFFFF0, v4  }
0xb0: {  	v3 =	vor.u32 v3, v4  }
0xb1: {  	v4 =	vperm.xlane v3, v0;
	_ =	sdelay $0x1  }
0xb2: {  	v3 =	vperm.xlane v3, v2;
	v4 =	vadd.s32 v1, v4;
	_ =	sdelay $0x1  }
0xb3: {  	v3 =	vadd.s32 v1, v3;
	_ =	sdelay $0x2  }
0xb4: {  	[tilespmem:s11], [sflag:$0x2] =	stream.indirect_vreg.gather [hbm4b:s3+s20], $0x80, v4, vm0, $0xb8;
	[tilespmem:$0x19C00] =	vst v63  }
0xb5: {  	_ = 	snop  }
0xb6: {  	[tilespmem:s12], [sflag:$0x2] =	stream.indirect_vreg.gather [hbm4b:s3+s20], $0x80, v3, vm0, $0xb8;
	[tilespmem:$0x19C00] =	vst v63  }
0xb7: {  	v3 =	vld [tilespmem:s21+$0x70];
	_ =	sdelay $0x4  }
0xb8: {  	v4 =	vshll.u32 v3, $0x1  }
0xb9: {  	v3 =	vand.u32 $0x7, v3;
	v4 =	vand.u32 $0xFFFFFFF0, v4  }
0xba: {  	v3 =	vor.u32 v3, v4  }
0xbb: {  	v4 =	vperm.xlane v3, v0;
	_ =	sdelay $0x1  }
0xbc: {  	v3 =	vperm.xlane v3, v2;
	v4 =	vadd.s32 v1, v4;
	_ =	sdelay $0x1  }
0xbd: {  	v3 =	vadd.s32 v1, v3;
	_ =	sdelay $0x1  }
0xbe: {  	s24 =	sand.u32 $0x7800, s20;
	s26 =	sand.u32 $0x380, s20  }
0xbf: {  	[tilespmem:s13], [sflag:$0x2] =	stream.indirect_vreg.gather [hbm4b:s3+s20], $0x80, v4, vm0, $0xb8;
	[tilespmem:$0x19C00] =	vst v63  }
0xc0: {  	s22 =	sor.u32 s26, s24  }
0xc1: {  	[tilespmem:s14], [sflag:$0x2] =	stream.indirect_vreg.gather [hbm4b:s3+s20], $0x80, v3, vm0, $0xb8;
	[tilespmem:$0x19C00] =	vst v63  }
0xc2: {  	v3 =	vld [tilespmem:s22+$0x1C00]  }
0xc3: {  	v4 =	vld [tilespmem:s22+$0x1C10];
	_ =	sdelay $0x4  }
0xc4: {  	v3 =	vadd.s32 $0x8000, v3;
	v4 =	vadd.s32 $0x8000, v4  }
0xc5: {  	v3 =	vshrl.u32 v3, $0x10;
	v4 =	vand.u32 $0xFFFF0000, v4  }
0xc6: {  	s21 =	simm.s32 $0x11C40;
	v3 =	vor.u32 v3, v4  }
0xc7: {  	[tilespmem:s21+$0xFFFFFFC0] =	vst v3  }
0xc8: {  	v3 =	vld [tilespmem:s22+$0x1C20]  }
0xc9: {  	v4 =	vld [tilespmem:s22+$0x1C30];
	_ =	sdelay $0x4  }
0xca: {  	v3 =	vadd.s32 $0x8000, v3;
	v4 =	vadd.s32 $0x8000, v4  }
0xcb: {  	v3 =	vshrl.u32 v3, $0x10;
	v4 =	vand.u32 $0xFFFF0000, v4  }
0xcc: {  	v3 =	vor.u32 v3, v4  }
0xcd: {  	[tilespmem:s21+$0xFFFFFFD0] =	vst v3  }
0xce: {  	v3 =	vld [tilespmem:s22+$0x1C40]  }
0xcf: {  	v4 =	vld [tilespmem:s22+$0x1C50];
	_ =	sdelay $0x4  }
0xd0: {  	v3 =	vadd.s32 $0x8000, v3;
	v4 =	vadd.s32 $0x8000, v4  }
0xd1: {  	v3 =	vshrl.u32 v3, $0x10;
	v4 =	vand.u32 $0xFFFF0000, v4  }
0xd2: {  	v3 =	vor.u32 v3, v4  }
0xd3: {  	[tilespmem:s21+$0xFFFFFFE0] =	vst v3  }
0xd4: {  	v3 =	vld [tilespmem:s22+$0x1C60]  }
0xd5: {  	v4 =	vld [tilespmem:s22+$0x1C70];
	_ =	sdelay $0x4  }
0xd6: {  	v3 =	vadd.s32 $0x8000, v3;
	v4 =	vadd.s32 $0x8000, v4  }
0xd7: {  	v3 =	vshrl.u32 v3, $0x10;
	v4 =	vand.u32 $0xFFFF0000, v4  }
0xd8: {  	v3 =	vor.u32 v3, v4  }
0xd9: {  	[tilespmem:s21+$0xFFFFFFF0] =	vst v3  }
0xda: {  	v3 =	vld [tilespmem:s22+$0x2000]  }
0xdb: {  	v4 =	vld [tilespmem:s22+$0x2010];
	_ =	sdelay $0x4  }
0xdc: {  	v3 =	vadd.s32 $0x8000, v3;
	v4 =	vadd.s32 $0x8000, v4  }
0xdd: {  	v3 =	vshrl.u32 v3, $0x10;
	v4 =	vand.u32 $0xFFFF0000, v4  }
0xde: {  	v3 =	vor.u32 v3, v4  }
0xdf: {  	[tilespmem:s21+$0x0] =	vst v3  }
0xe0: {  	v3 =	vld [tilespmem:s22+$0x2020]  }
0xe1: {  	v4 =	vld [tilespmem:s22+$0x2030];
	_ =	sdelay $0x4  }
0xe2: {  	v3 =	vadd.s32 $0x8000, v3;
	v4 =	vadd.s32 $0x8000, v4  }
0xe3: {  	v3 =	vshrl.u32 v3, $0x10;
	v4 =	vand.u32 $0xFFFF0000, v4  }
0xe4: {  	v3 =	vor.u32 v3, v4  }
0xe5: {  	[tilespmem:s21+$0x10] =	vst v3  }
0xe6: {  	v3 =	vld [tilespmem:s22+$0x2040]  }
0xe7: {  	v4 =	vld [tilespmem:s22+$0x2050];
	_ =	sdelay $0x4  }
0xe8: {  	v3 =	vadd.s32 $0x8000, v3;
	v4 =	vadd.s32 $0x8000, v4  }
0xe9: {  	v3 =	vshrl.u32 v3, $0x10;
	v4 =	vand.u32 $0xFFFF0000, v4  }
0xea: {  	v3 =	vor.u32 v3, v4  }
0xeb: {  	[tilespmem:s21+$0x20] =	vst v3  }
0xec: {  	s23 =	simm.s32 $0x11C40;
	s24 =	simm.s32 $0x100;
	v3 =	vld [tilespmem:s22+$0x2060]  }
.LBB2_3:
0xed: {  	p0 =	sne.s32 s24, $0x7F00;
	v4 =	vld [tilespmem:s22+$0x2070];
	s20 =	sadd.s32 $0x80, s20;
	s21 =	sadd.s32 $0x80, s21  }
0xee: {  	s22 =	smov.u32 s24;
	s24 =	sadd.s32 $0x100, s24;
	_ =	sdelay $0x2  }
0xef: {  	v3 =	vadd.s32 $0x8000, v3  }
0xf0: {  	v3 =	vshrl.u32 v3, $0x10;
	v4 =	vadd.s32 $0x8000, v4  }
0xf1: {  	v4 =	vand.u32 $0xFFFF0000, v4  }
0xf2: {  	s22 =	sand.u32 $0x7800, s22;
	s26 =	sand.u32 $0x380, s20;
	v3 =	vor.u32 v3, v4  }
0xf3: {  	s22 =	sor.u32 s26, s22;
	[tilespmem:s23+$0x30] =	vst v3;
	s23 =	smov.u32 s21  }
0xf4: {  	v3 =	vld [tilespmem:s22+$0x1C00]  }
0xf5: {  	v4 =	vld [tilespmem:s22+$0x1C10];
	_ =	sdelay $0x3  }
0xf6: {  	v3 =	vadd.s32 $0x8000, v3  }
0xf7: {  	v3 =	vshrl.u32 v3, $0x10;
	v4 =	vadd.s32 $0x8000, v4  }
0xf8: {  	v4 =	vand.u32 $0xFFFF0000, v4  }
0xf9: {  	v3 =	vor.u32 v3, v4  }
0xfa: {  	[tilespmem:s21+$0xFFFFFFC0] =	vst v3  }
0xfb: {  	v3 =	vld [tilespmem:s22+$0x1C20]  }
0xfc: {  	v4 =	vld [tilespmem:s22+$0x1C30];
	_ =	sdelay $0x3  }
0xfd: {  	v3 =	vadd.s32 $0x8000, v3  }
0xfe: {  	v3 =	vshrl.u32 v3, $0x10;
	v4 =	vadd.s32 $0x8000, v4  }
0xff: {  	v4 =	vand.u32 $0xFFFF0000, v4  }
0x100: {  	v3 =	vor.u32 v3, v4  }
0x101: {  	[tilespmem:s21+$0xFFFFFFD0] =	vst v3  }
0x102: {  	v3 =	vld [tilespmem:s22+$0x1C40]  }
0x103: {  	v4 =	vld [tilespmem:s22+$0x1C50];
	_ =	sdelay $0x3  }
0x104: {  	v3 =	vadd.s32 $0x8000, v3  }
0x105: {  	v3 =	vshrl.u32 v3, $0x10;
	v4 =	vadd.s32 $0x8000, v4  }
0x106: {  	v4 =	vand.u32 $0xFFFF0000, v4  }
0x107: {  	v3 =	vor.u32 v3, v4  }
0x108: {  	[tilespmem:s21+$0xFFFFFFE0] =	vst v3  }
0x109: {  	v3 =	vld [tilespmem:s22+$0x1C60]  }
0x10a: {  	v4 =	vld [tilespmem:s22+$0x1C70];
	_ =	sdelay $0x3  }
0x10b: {  	v3 =	vadd.s32 $0x8000, v3  }
0x10c: {  	v3 =	vshrl.u32 v3, $0x10;
	v4 =	vadd.s32 $0x8000, v4  }
0x10d: {  	v4 =	vand.u32 $0xFFFF0000, v4  }
0x10e: {  	v3 =	vor.u32 v3, v4  }
0x10f: {  	[tilespmem:s21+$0xFFFFFFF0] =	vst v3  }
0x110: {  	v3 =	vld [tilespmem:s22+$0x2000]  }
0x111: {  	v4 =	vld [tilespmem:s22+$0x2010];
	_ =	sdelay $0x3  }
0x112: {  	v3 =	vadd.s32 $0x8000, v3  }
0x113: {  	v3 =	vshrl.u32 v3, $0x10;
	v4 =	vadd.s32 $0x8000, v4  }
0x114: {  	v4 =	vand.u32 $0xFFFF0000, v4  }
0x115: {  	v3 =	vor.u32 v3, v4  }
0x116: {  	[tilespmem:s21+$0x0] =	vst v3  }
0x117: {  	v3 =	vld [tilespmem:s22+$0x2020]  }
0x118: {  	v4 =	vld [tilespmem:s22+$0x2030];
	_ =	sdelay $0x3  }
0x119: {  	v3 =	vadd.s32 $0x8000, v3  }
0x11a: {  	v3 =	vshrl.u32 v3, $0x10;
	v4 =	vadd.s32 $0x8000, v4  }
0x11b: {  	v4 =	vand.u32 $0xFFFF0000, v4  }
0x11c: {  	v3 =	vor.u32 v3, v4  }
0x11d: {  	[tilespmem:s21+$0x10] =	vst v3  }
0x11e: {  	v3 =	vld [tilespmem:s22+$0x2040]  }
0x11f: {  	v4 =	vld [tilespmem:s22+$0x2050];
	_ =	sdelay $0x3  }
0x120: {  	v3 =	vadd.s32 $0x8000, v3  }
.Ltmp0:
0x121: {  	v3 =	vshrl.u32 v3, $0x10;
	v4 =	vadd.s32 $0x8000, v4;
	(pc) =	sbr.rel @p0 .LBB2_3-.Ltmp0, $4  }
0x122: {  	v4 =	vand.u32 $0xFFFF0000, v4  }
0x123: {  	v3 =	vor.u32 v3, v4  }
0x124: {  	[tilespmem:s21+$0x20] =	vst v3  }
0x125: {  	v3 =	vld [tilespmem:s22+$0x2060]  }
0x126: {  	v4 =	vld [tilespmem:s22+$0x2070];
	_ =	sdelay $0x4  }
0x127: {  	v3 =	vadd.s32 $0x8000, v3;
	v4 =	vadd.s32 $0x8000, v4  }
0x128: {  	v3 =	vshrl.u32 v3, $0x10;
	v4 =	vand.u32 $0xFFFF0000, v4  }
0x129: {  	p0 =	seq.s32 s18, $0x0;
	v3 =	vor.u32 v3, v4  }
0x12a: {  	s21 =	sshll.u32 s18, $0xF;
	s20 =	simm.s32 @!p0 $0x3;
	[tilespmem:s23+$0x30] =	vst v3  }
0x12b: {  	s21 =	sadd.s32 s6, s21;
	_ =	swait.ge @!p0 [sflag:s20], $0x4000  }
0x12c: {  	p1 =	seq.s32 s18, $0x1B;
	s21 =	sshrl.u32 s21, $0x3;
	[sflag:s20] =	ssyncset.done @!p0 $0x0  }
.Ltmp1:
0x12d: {  	s26 =	sadd.s32 s4, s21;
	[sflag:s20] =	ssyncadd.s32 @!p0 $0xFFFFC000;
	(pc) =	sbr.rel @p1 .LBB2_6-.Ltmp1, $4  }
0x12e: {  	[hbm4b:s26+s2] =	stream.linear.scatter [tilespmem:s15], [sflag:$0x3], $0x4000, $0x38;
	[tilespmem:$0x19C00] =	vst v63  }
0x12f: {  	_ =	swait.ge [sflag:s16], $0x8000  }
0x130: {  	[sflag:s16] =	ssyncset.done $0x0  }
0x131: {  	[sflag:s16] =	ssyncadd.s32 $0xFFFF8000  }
0x132: {  	s20 =	sshll.u32 s18, $0x8  }
0x133: {  	s20 =	sand.u32 $0x3FFFFF00, s20  }
0x134: {  	v3 =	vld [tilespmem:s20+$0x100];
	_ =	sdelay $0x4  }
0x135: {  	v4 =	vshll.u32 v3, $0x1  }
0x136: {  	v3 =	vand.u32 $0x7, v3;
	v4 =	vand.u32 $0xFFFFFFF0, v4  }
0x137: {  	v3 =	vor.u32 v3, v4  }
0x138: {  	v4 =	vperm.xlane v3, v0;
	_ =	sdelay $0x1  }
0x139: {  	v3 =	vperm.xlane v3, v2;
	v4 =	vadd.s32 v1, v4;
	_ =	sdelay $0x1  }
0x13a: {  	v3 =	vadd.s32 v1, v3;
	_ =	sdelay $0x1  }
0x13b: {  	s21 =	simm.s32 $0x1C00  }
0x13c: {  	[tilespmem:s21], [sflag:$0x1] =	stream.indirect_vreg.gather [hbm4b:s3+s2], $0x80, v4, vm0, $0xb8;
	[tilespmem:$0x19C00] =	vst v63  }
0x13d: {  	s23 =	simm.s32 $0x2400  }
0x13e: {  	[tilespmem:s23], [sflag:$0x1] =	stream.indirect_vreg.gather [hbm4b:s3+s2], $0x80, v3, vm0, $0xb8;
	[tilespmem:$0x19C00] =	vst v63  }
0x13f: {  	v3 =	vld [tilespmem:s20+$0x110];
	_ =	sdelay $0x4  }
0x140: {  	v57 =	vshll.u32 v3, $0x1  }
0x141: {  	v3 =	vand.u32 $0x7, v3;
	v4 =	vand.u32 $0xFFFFFFF0, v57  }
0x142: {  	v3 =	vor.u32 v3, v4  }
0x143: {  	v4 =	vperm.xlane v3, v0;
	_ =	sdelay $0x1  }
0x144: {  	v3 =	vperm.xlane v3, v2;
	v4 =	vadd.s32 v1, v4;
	_ =	sdelay $0x1  }
0x145: {  	v3 =	vadd.s32 v1, v3;
	_ =	sdelay $0x1  }
0x146: {  	s24 =	simm.s32 $0x2C00  }
0x147: {  	[tilespmem:s24], [sflag:$0x1] =	stream.indirect_vreg.gather [hbm4b:s3+s2], $0x80, v4, vm0, $0xb8;
	[tilespmem:$0x19C00] =	vst v63  }
0x148: {  	s26 =	simm.s32 $0x3400  }
0x149: {  	[tilespmem:s26], [sflag:$0x1] =	stream.indirect_vreg.gather [hbm4b:s3+s2], $0x80, v3, vm0, $0xb8;
	[tilespmem:$0x19C00] =	vst v63  }
0x14a: {  	v3 =	vld [tilespmem:s20+$0x120];
	_ =	sdelay $0x4  }
0x14b: {  	v58 =	vshll.u32 v3, $0x1  }
0x14c: {  	v3 =	vand.u32 $0x7, v3;
	v4 =	vand.u32 $0xFFFFFFF0, v58  }
0x14d: {  	v3 =	vor.u32 v3, v4  }
0x14e: {  	v4 =	vperm.xlane v3, v0;
	_ =	sdelay $0x1  }
0x14f: {  	v3 =	vperm.xlane v3, v2;
	v4 =	vadd.s32 v1, v4;
	_ =	sdelay $0x1  }
0x150: {  	v3 =	vadd.s32 v1, v3;
	_ =	sdelay $0x1  }
0x151: {  	s22 =	simm.s32 $0x3C00  }
0x152: {  	[tilespmem:s22], [sflag:$0x1] =	stream.indirect_vreg.gather [hbm4b:s3+s2], $0x80, v4, vm0, $0xb8;
	[tilespmem:$0x19C00] =	vst v63  }
0x153: {  	s23 =	simm.s32 $0x4400  }
0x154: {  	[tilespmem:s23], [sflag:$0x1] =	stream.indirect_vreg.gather [hbm4b:s3+s2], $0x80, v3, vm0, $0xb8;
	[tilespmem:$0x19C00] =	vst v63  }
0x155: {  	v3 =	vld [tilespmem:s20+$0x130];
	_ =	sdelay $0x4  }
0x156: {  	v59 =	vshll.u32 v3, $0x1  }
0x157: {  	v3 =	vand.u32 $0x7, v3;
	v4 =	vand.u32 $0xFFFFFFF0, v59  }
0x158: {  	v3 =	vor.u32 v3, v4  }
0x159: {  	v4 =	vperm.xlane v3, v0;
	_ =	sdelay $0x1  }
0x15a: {  	v3 =	vperm.xlane v3, v2;
	v4 =	vadd.s32 v1, v4;
	_ =	sdelay $0x1  }
0x15b: {  	v3 =	vadd.s32 v1, v3;
	_ =	sdelay $0x1  }
0x15c: {  	s24 =	simm.s32 $0x4C00  }
0x15d: {  	[tilespmem:s24], [sflag:$0x1] =	stream.indirect_vreg.gather [hbm4b:s3+s2], $0x80, v4, vm0, $0xb8;
	[tilespmem:$0x19C00] =	vst v63  }
0x15e: {  	s26 =	simm.s32 $0x5400  }
0x15f: {  	[tilespmem:s26], [sflag:$0x1] =	stream.indirect_vreg.gather [hbm4b:s3+s2], $0x80, v3, vm0, $0xb8;
	[tilespmem:$0x19C00] =	vst v63  }
0x160: {  	v3 =	vld [tilespmem:s20+$0x140];
	_ =	sdelay $0x4  }
0x161: {  	v60 =	vshll.u32 v3, $0x1  }
0x162: {  	v3 =	vand.u32 $0x7, v3;
	v4 =	vand.u32 $0xFFFFFFF0, v60  }
0x163: {  	v3 =	vor.u32 v3, v4  }
0x164: {  	v4 =	vperm.xlane v3, v0;
	_ =	sdelay $0x1  }
0x165: {  	v3 =	vperm.xlane v3, v2;
	v4 =	vadd.s32 v1, v4;
	_ =	sdelay $0x1  }
0x166: {  	v3 =	vadd.s32 v1, v3;
	_ =	sdelay $0x1  }
0x167: {  	s22 =	simm.s32 $0x5C00  }
0x168: {  	[tilespmem:s22], [sflag:$0x1] =	stream.indirect_vreg.gather [hbm4b:s3+s2], $0x80, v4, vm0, $0xb8;
	[tilespmem:$0x19C00] =	vst v63  }
0x169: {  	s23 =	simm.s32 $0x6400  }
0x16a: {  	[tilespmem:s23], [sflag:$0x1] =	stream.indirect_vreg.gather [hbm4b:s3+s2], $0x80, v3, vm0, $0xb8;
	[tilespmem:$0x19C00] =	vst v63  }
0x16b: {  	v3 =	vld [tilespmem:s20+$0x150];
	_ =	sdelay $0x4  }
0x16c: {  	v61 =	vshll.u32 v3, $0x1  }
0x16d: {  	v3 =	vand.u32 $0x7, v3;
	v4 =	vand.u32 $0xFFFFFFF0, v61  }
0x16e: {  	v3 =	vor.u32 v3, v4  }
0x16f: {  	v4 =	vperm.xlane v3, v0;
	_ =	sdelay $0x1  }
0x170: {  	v3 =	vperm.xlane v3, v2;
	v4 =	vadd.s32 v1, v4;
	_ =	sdelay $0x1  }
0x171: {  	v3 =	vadd.s32 v1, v3;
	_ =	sdelay $0x1  }
0x172: {  	s24 =	simm.s32 $0x6C00  }
0x173: {  	[tilespmem:s24], [sflag:$0x1] =	stream.indirect_vreg.gather [hbm4b:s3+s2], $0x80, v4, vm0, $0xb8;
	[tilespmem:$0x19C00] =	vst v63  }
0x174: {  	s26 =	simm.s32 $0x7400  }
0x175: {  	[tilespmem:s26], [sflag:$0x1] =	stream.indirect_vreg.gather [hbm4b:s3+s2], $0x80, v3, vm0, $0xb8;
	[tilespmem:$0x19C00] =	vst v63  }
0x176: {  	v3 =	vld [tilespmem:s20+$0x160];
	_ =	sdelay $0x4  }
0x177: {  	v62 =	vshll.u32 v3, $0x1  }
0x178: {  	v3 =	vand.u32 $0x7, v3;
	v4 =	vand.u32 $0xFFFFFFF0, v62  }
0x179: {  	v3 =	vor.u32 v3, v4  }
0x17a: {  	v4 =	vperm.xlane v3, v0;
	_ =	sdelay $0x1  }
0x17b: {  	v3 =	vperm.xlane v3, v2;
	v4 =	vadd.s32 v1, v4;
	_ =	sdelay $0x1  }
0x17c: {  	v3 =	vadd.s32 v1, v3;
	_ =	sdelay $0x1  }
0x17d: {  	s22 =	simm.s32 $0x7C00  }
0x17e: {  	[tilespmem:s22], [sflag:$0x1] =	stream.indirect_vreg.gather [hbm4b:s3+s2], $0x80, v4, vm0, $0xb8;
	[tilespmem:$0x19C00] =	vst v63  }
0x17f: {  	s23 =	simm.s32 $0x8400  }
0x180: {  	[tilespmem:s23], [sflag:$0x1] =	stream.indirect_vreg.gather [hbm4b:s3+s2], $0x80, v3, vm0, $0xb8;
	[tilespmem:$0x19C00] =	vst v63  }
0x181: {  	v3 =	vld [tilespmem:s20+$0x170];
	_ =	sdelay $0x4  }
0x182: {  	v63 =	vshll.u32 v3, $0x1  }
0x183: {  	v3 =	vand.u32 $0x7, v3;
	v4 =	vand.u32 $0xFFFFFFF0, v63  }
0x184: {  	v3 =	vor.u32 v3, v4  }
0x185: {  	v4 =	vperm.xlane v3, v0;
	_ =	sdelay $0x1  }
0x186: {  	v3 =	vperm.xlane v3, v2;
	v4 =	vadd.s32 v1, v4;
	_ =	sdelay $0x1  }
0x187: {  	v3 =	vadd.s32 v1, v3;
	_ =	sdelay $0x1  }
0x188: {  	s24 =	simm.s32 $0x8C00  }
0x189: {  	[tilespmem:s24], [sflag:$0x1] =	stream.indirect_vreg.gather [hbm4b:s3+s2], $0x80, v4, vm0, $0xb8;
	[tilespmem:$0x19C00] =	vst v63  }
0x18a: {  	s26 =	simm.s32 $0x9400  }
0x18b: {  	[tilespmem:s26], [sflag:$0x1] =	stream.indirect_vreg.gather [hbm4b:s3+s2], $0x80, v3, vm0, $0xb8;
	[tilespmem:$0x19C00] =	vst v63  }
.LBB2_6:
0x18c: {  	s20 =	simm.s32 $0x0  }
0x18d: {  	s21 =	sand.u32 $0x7800, s20;
	s22 =	sand.u32 $0x380, s20  }
0x18e: {  	s22 =	sor.u32 s22, s21  }
0x18f: {  	v3 =	vld [tilespmem:s22+$0x9C00]  }
0x190: {  	v4 =	vld [tilespmem:s22+$0x9C10];
	_ =	sdelay $0x4  }
0x191: {  	v3 =	vadd.s32 $0x8000, v3;
	v4 =	vadd.s32 $0x8000, v4  }
0x192: {  	v3 =	vshrl.u32 v3, $0x10;
	v4 =	vand.u32 $0xFFFF0000, v4  }
0x193: {  	s21 =	simm.s32 $0x15C40;
	v3 =	vor.u32 v3, v4  }
0x194: {  	[tilespmem:s21+$0xFFFFFFC0] =	vst v3  }
0x195: {  	v3 =	vld [tilespmem:s22+$0x9C20]  }
0x196: {  	v4 =	vld [tilespmem:s22+$0x9C30];
	_ =	sdelay $0x4  }
0x197: {  	v3 =	vadd.s32 $0x8000, v3;
	v4 =	vadd.s32 $0x8000, v4  }
0x198: {  	v3 =	vshrl.u32 v3, $0x10;
	v4 =	vand.u32 $0xFFFF0000, v4  }
0x199: {  	v3 =	vor.u32 v3, v4  }
0x19a: {  	[tilespmem:s21+$0xFFFFFFD0] =	vst v3  }
0x19b: {  	v3 =	vld [tilespmem:s22+$0x9C40]  }
0x19c: {  	v4 =	vld [tilespmem:s22+$0x9C50];
	_ =	sdelay $0x4  }
0x19d: {  	v3 =	vadd.s32 $0x8000, v3;
	v4 =	vadd.s32 $0x8000, v4  }
0x19e: {  	v3 =	vshrl.u32 v3, $0x10;
	v4 =	vand.u32 $0xFFFF0000, v4  }
0x19f: {  	v3 =	vor.u32 v3, v4  }
0x1a0: {  	[tilespmem:s21+$0xFFFFFFE0] =	vst v3  }
0x1a1: {  	v3 =	vld [tilespmem:s22+$0x9C60]  }
0x1a2: {  	v4 =	vld [tilespmem:s22+$0x9C70];
	_ =	sdelay $0x4  }
0x1a3: {  	v3 =	vadd.s32 $0x8000, v3;
	v4 =	vadd.s32 $0x8000, v4  }
0x1a4: {  	v3 =	vshrl.u32 v3, $0x10;
	v4 =	vand.u32 $0xFFFF0000, v4  }
0x1a5: {  	v3 =	vor.u32 v3, v4  }
0x1a6: {  	[tilespmem:s21+$0xFFFFFFF0] =	vst v3  }
0x1a7: {  	v3 =	vld [tilespmem:s22+$0xA000]  }
0x1a8: {  	v4 =	vld [tilespmem:s22+$0xA010];
	_ =	sdelay $0x4  }
0x1a9: {  	v3 =	vadd.s32 $0x8000, v3;
	v4 =	vadd.s32 $0x8000, v4  }
0x1aa: {  	v3 =	vshrl.u32 v3, $0x10;
	v4 =	vand.u32 $0xFFFF0000, v4  }
0x1ab: {  	v3 =	vor.u32 v3, v4  }
0x1ac: {  	[tilespmem:s21+$0x0] =	vst v3  }
0x1ad: {  	v3 =	vld [tilespmem:s22+$0xA020]  }
0x1ae: {  	v4 =	vld [tilespmem:s22+$0xA030];
	_ =	sdelay $0x4  }
0x1af: {  	v3 =	vadd.s32 $0x8000, v3;
	v4 =	vadd.s32 $0x8000, v4  }
0x1b0: {  	v3 =	vshrl.u32 v3, $0x10;
	v4 =	vand.u32 $0xFFFF0000, v4  }
0x1b1: {  	v3 =	vor.u32 v3, v4  }
0x1b2: {  	[tilespmem:s21+$0x10] =	vst v3  }
0x1b3: {  	v3 =	vld [tilespmem:s22+$0xA040]  }
0x1b4: {  	v4 =	vld [tilespmem:s22+$0xA050];
	_ =	sdelay $0x4  }
0x1b5: {  	v3 =	vadd.s32 $0x8000, v3;
	v4 =	vadd.s32 $0x8000, v4  }
0x1b6: {  	v3 =	vshrl.u32 v3, $0x10;
	v4 =	vand.u32 $0xFFFF0000, v4  }
0x1b7: {  	v3 =	vor.u32 v3, v4  }
0x1b8: {  	[tilespmem:s21+$0x20] =	vst v3  }
0x1b9: {  	s24 =	simm.s32 $0x100;
	s23 =	simm.s32 $0x15C40;
	v3 =	vld [tilespmem:s22+$0xA060]  }
.LBB2_7:
0x1ba: {  	p1 =	sne.s32 s24, $0x7F00;
	v4 =	vld [tilespmem:s22+$0xA070];
	s20 =	sadd.s32 $0x80, s20;
	s21 =	sadd.s32 $0x80, s21  }
0x1bb: {  	s22 =	smov.u32 s24;
	s24 =	sadd.s32 $0x100, s24;
	_ =	sdelay $0x2  }
0x1bc: {  	v3 =	vadd.s32 $0x8000, v3  }
0x1bd: {  	v3 =	vshrl.u32 v3, $0x10;
	v4 =	vadd.s32 $0x8000, v4  }
0x1be: {  	v4 =	vand.u32 $0xFFFF0000, v4  }
0x1bf: {  	s22 =	sand.u32 $0x7800, s22;
	s26 =	sand.u32 $0x380, s20;
	v3 =	vor.u32 v3, v4  }
0x1c0: {  	s22 =	sor.u32 s26, s22;
	[tilespmem:s23+$0x30] =	vst v3;
	s23 =	smov.u32 s21  }
0x1c1: {  	v3 =	vld [tilespmem:s22+$0x9C00]  }
0x1c2: {  	v4 =	vld [tilespmem:s22+$0x9C10];
	_ =	sdelay $0x3  }
0x1c3: {  	v3 =	vadd.s32 $0x8000, v3  }
0x1c4: {  	v3 =	vshrl.u32 v3, $0x10;
	v4 =	vadd.s32 $0x8000, v4  }
0x1c5: {  	v4 =	vand.u32 $0xFFFF0000, v4  }
0x1c6: {  	v3 =	vor.u32 v3, v4  }
0x1c7: {  	[tilespmem:s21+$0xFFFFFFC0] =	vst v3  }
0x1c8: {  	v3 =	vld [tilespmem:s22+$0x9C20]  }
0x1c9: {  	v4 =	vld [tilespmem:s22+$0x9C30];
	_ =	sdelay $0x3  }
0x1ca: {  	v3 =	vadd.s32 $0x8000, v3  }
0x1cb: {  	v3 =	vshrl.u32 v3, $0x10;
	v4 =	vadd.s32 $0x8000, v4  }
0x1cc: {  	v4 =	vand.u32 $0xFFFF0000, v4  }
0x1cd: {  	v3 =	vor.u32 v3, v4  }
0x1ce: {  	[tilespmem:s21+$0xFFFFFFD0] =	vst v3  }
0x1cf: {  	v3 =	vld [tilespmem:s22+$0x9C40]  }
0x1d0: {  	v4 =	vld [tilespmem:s22+$0x9C50];
	_ =	sdelay $0x3  }
0x1d1: {  	v3 =	vadd.s32 $0x8000, v3  }
0x1d2: {  	v3 =	vshrl.u32 v3, $0x10;
	v4 =	vadd.s32 $0x8000, v4  }
0x1d3: {  	v4 =	vand.u32 $0xFFFF0000, v4  }
0x1d4: {  	v3 =	vor.u32 v3, v4  }
0x1d5: {  	[tilespmem:s21+$0xFFFFFFE0] =	vst v3  }
0x1d6: {  	v3 =	vld [tilespmem:s22+$0x9C60]  }
0x1d7: {  	v4 =	vld [tilespmem:s22+$0x9C70];
	_ =	sdelay $0x3  }
0x1d8: {  	v3 =	vadd.s32 $0x8000, v3  }
0x1d9: {  	v3 =	vshrl.u32 v3, $0x10;
	v4 =	vadd.s32 $0x8000, v4  }
0x1da: {  	v4 =	vand.u32 $0xFFFF0000, v4  }
0x1db: {  	v3 =	vor.u32 v3, v4  }
0x1dc: {  	[tilespmem:s21+$0xFFFFFFF0] =	vst v3  }
0x1dd: {  	v3 =	vld [tilespmem:s22+$0xA000]  }
0x1de: {  	v4 =	vld [tilespmem:s22+$0xA010];
	_ =	sdelay $0x3  }
0x1df: {  	v3 =	vadd.s32 $0x8000, v3  }
0x1e0: {  	v3 =	vshrl.u32 v3, $0x10;
	v4 =	vadd.s32 $0x8000, v4  }
0x1e1: {  	v4 =	vand.u32 $0xFFFF0000, v4  }
0x1e2: {  	v3 =	vor.u32 v3, v4  }
0x1e3: {  	[tilespmem:s21+$0x0] =	vst v3  }
0x1e4: {  	v3 =	vld [tilespmem:s22+$0xA020]  }
0x1e5: {  	v4 =	vld [tilespmem:s22+$0xA030];
	_ =	sdelay $0x3  }
0x1e6: {  	v3 =	vadd.s32 $0x8000, v3  }
0x1e7: {  	v3 =	vshrl.u32 v3, $0x10;
	v4 =	vadd.s32 $0x8000, v4  }
0x1e8: {  	v4 =	vand.u32 $0xFFFF0000, v4  }
0x1e9: {  	v3 =	vor.u32 v3, v4  }
0x1ea: {  	[tilespmem:s21+$0x10] =	vst v3  }
0x1eb: {  	v3 =	vld [tilespmem:s22+$0xA040]  }
0x1ec: {  	v4 =	vld [tilespmem:s22+$0xA050];
	_ =	sdelay $0x3  }
0x1ed: {  	v3 =	vadd.s32 $0x8000, v3  }
.Ltmp2:
0x1ee: {  	v3 =	vshrl.u32 v3, $0x10;
	v4 =	vadd.s32 $0x8000, v4;
	(pc) =	sbr.rel @p1 .LBB2_7-.Ltmp2, $4  }
0x1ef: {  	v4 =	vand.u32 $0xFFFF0000, v4  }
0x1f0: {  	v3 =	vor.u32 v3, v4  }
0x1f1: {  	[tilespmem:s21+$0x20] =	vst v3  }
0x1f2: {  	v3 =	vld [tilespmem:s22+$0xA060]  }
0x1f3: {  	v4 =	vld [tilespmem:s22+$0xA070];
	_ =	sdelay $0x4  }
0x1f4: {  	v3 =	vadd.s32 $0x8000, v3;
	v4 =	vadd.s32 $0x8000, v4  }
0x1f5: {  	v3 =	vshrl.u32 v3, $0x10;
	v4 =	vand.u32 $0xFFFF0000, v4  }
0x1f6: {  	v3 =	vor.u32 v3, v4  }
0x1f7: {  	s20 =	simm.s32 @!p0 $0x4;
	[tilespmem:s23+$0x30] =	vst v3  }
0x1f8: {  	_ =	swait.ge @!p0 [sflag:s20], $0x4000  }
0x1f9: {  	s18 =	sadd.s32 $0x1, s18;
	[sflag:s20] =	ssyncset.done @!p0 $0x0  }
0x1fa: {  	[sflag:s20] =	ssyncadd.s32 @!p0 $0xFFFFC000;
	p0 =	sne.s32 s18, $0x1C  }
.Ltmp3:
0x1fb: {  	s19 =	sshll.u32 s19, $0xE;
	(pc) =	sbr.rel @p0 .LBB2_2-.Ltmp3, $4  }
0x1fc: {  	s19 =	sadd.s32 s6, s19  }
0x1fd: {  	s19 =	sshrl.u32 s19, $0x3  }
0x1fe: {  	s19 =	sadd.s32 s4, s19  }
0x1ff: {  	[hbm4b:s19+s2] =	stream.linear.scatter [tilespmem:s17], [sflag:$0x4], $0x4000, $0x38;
	[tilespmem:$0x19C00] =	vst v63  }
0x200: {  	s18 =	simm.s32 $0x3  }
0x201: {  	_ =	swait.ge [sflag:s18], $0x4000  }
0x202: {  	[sflag:s18] =	ssyncset.done $0x0  }
0x203: {  	s19 =	simm.s32 $0x4;
	[sflag:s18] =	ssyncadd.s32 $0xFFFFC000  }
0x204: {  	_ =	swait.ge [sflag:s19], $0x4000  }
0x205: {  	s20 =	rddreg [dreg:$0x5]  }
0x206: {  	s26 =	rddreg [dreg:$0x4];
	s20 =	sadd.s32 $0x1, s20  }
0x207: {  	p0 =	sne.s32 s20, s26  }
.Ltmp4:
0x208: {  	_ = 	snop;
	(pc) =	sbr.rel @p0 .LBB2_1-.Ltmp4, $3  }
0x209: {  	_ =	sdelay $0x1  }
0x20a: {  	[sflag:s19] =	ssyncset.done $0x0  }
0x20b: {  	[sflag:s19] =	ssyncadd.s32 $0xFFFFC000  }
0x20c: {  	_ =	sfence.sel $0x180000  }
0x20d: {  	[bflag:$0x0] =	sbarrier.arrive $0xFFFF  }
0x20e: {  	_ =	strace $0x90000047  }
0x20f: {  	s0 =	stileid.u32;
	[bflag:$0x2] =	sbarrier.arrive $0xFFFF  }
0x210: {  	p0 =	sne.s32 s0, $0x0;
	s0 =	rddreg [dreg:$0x2]  }
0x211: {  	s0 =	sadd.s32 @!p0 $0x100000, s0  }
0x212: {  	[sflag:s0] =	ssyncadd.tile.s32 @!p0 $0x1;
	_ =	shalt  }
.Lfunc_end2:
_tile_overlayer_lowered:
.L_overlay_start_2:
0x213: {  	(tag) =	ssettag $0x2  }
0x214: {  	s0 =	rddreg [dreg:$0x0];
	s2 =	stileid.u32  }
0x215: {  	s1 =	rddreg [dreg:$0x1];
	p0 =	sne.s32 s2, $0x0  }
0x216: {  	s3 =	rddreg [dreg:$0x2];
	[bflag:$0x3] =	sbarrier.arrive $0xFFFF;
	s2 =	simm.s32 @!p0 $0x1C05  }
0x217: {  	[timem:s3], [sflag:s2] =	dma.local @!p0 [hbm:s0], s1  }
0x218: {  	s0 =	simm.s32 @!p0 $0x5  }
0x219: {  	_ =	swait.ge @!p0 [sflag:s0], s1  }
0x21a: {  	s1 =	ssub.s32 @!p0 $0x0, s1;
	[sflag:s0] =	ssyncset.done @!p0 $0x0  }
0x21b: {  	[sflag:s0] =	ssyncadd.s32 @!p0 s1  }
0x21c: {  	[bflag:$0x3] =	sbarrier.arrive $0xFFFF  }
0x21d: {  	_ =	shalt  }

// kernel: sparse-core-data-format-call.cloned.1.call-start
scs
called_computation_lowered:
.L_overlay_start_0:
0x0: {  	s2 =	sld [smem:$0x3FD9]  }
0x1: {  	s3 =	sld [smem:$0x3FFE];
	_ =	sdelay $0x1  }
0x2: {  	s1 =	srdreg.scid  }
0x3: {  	s0 =	sand.u32 $0x1, s1  }
0x4: {  	s18 =	sshll.u32 s0, $0xA;
	s2 =	sadd.s32 s3, s2  }
0x5: {  	s2 =	sadd.s32 s2, s18  }
0x6: {  	[smem:$0x3FC4] =	sst s2  }
0x7: {  	_ = 	snop  }
0x8: {  	s2 =	sld [smem:$0x3FD0];
	(tm) =	ssettm $0x1  }
0x9: {  	s19 =	sld [smem:$0x3FFB];
	_ =	sdelay $0x3  }
0xa: {  	_ =	strace s19  }
0xb: {  	s3 =	sld [smem:$0x3FFC];
	_ =	sdelay $0x3  }
0xc: {  	_ =	strace s3  }
0xd: {  	s3 =	sld [smem:$0x3FFD];
	_ =	sdelay $0x3  }
0xe: {  	_ =	strace s3  }
0xf: {  	_ =	strace $0x8FFFFFFF  }
0x10: {  	s20 =	sld [smem:$0x3FDB];
	_ =	sdelay $0x1  }
0x11: {  	s4 =	simm.s32 $_scs_section_size  }
0x12: {  	s5 =	simm.s32 $_size__tile_overlayer_lowered;
	s6 =	simm.s32 $_tile_overlayer_lowered  }
0x13: {  	s23 =	simm.s32 $0x1BFF;
	s22 =	sshll.u32 s6, $0x1;
	s3 =	sadd.s32 s4, s20  }
0x14: {  	s7 =	simm.s32 $0x0;
	s21 =	sshll.u32 s5, $0x1;
	s5 =	sadd.s32 s22, s3  }
0x15: {  	[timem:s7], [sflag:s23] =	dma.local [hbm:s5], s21  }
0x16: {  	_ =	swait.ge [sflag:s23], s21  }
0x17: {  	s4 =	ssub.s32 $0x0, s21;
	[sflag:s23] =	ssyncset.done $0x0  }
0x18: {  	[sflag:s23] =	ssyncadd.s32 s4;
	_ =	sdelay $0x1  }
0x19: {  	s24 =	simm.s32 $0x1B8B  }
0x1a: {  	_ =	swait.ge [sflag:s24], $0x1  }
0x1b: {  	[sflag:s24] =	ssyncset.done $0x0  }
0x1c: {  	s26 =	simm.s32 $0x1B8E;
	s25 =	sld [smem:$0x3FFE];
	[sflag:s24] =	ssyncadd.s32 $0xFFFFFFFF  }
0x1d: {  	s27 =	simm.s32 $execute0_lowered;
	[smem:$0x3FD2] =	sst s26  }
0x1e: {  	s5 =	sshll.u32 s27, $0x1;
	_ =	strace $0x80000049;
	[dreg:$0x1] =	wrdreg $0xFFFFFFFF  }
0x1f: {  	s28 =	simm.s32 $_size_execute0_lowered;
	s3 =	sadd.s32 s3, s5;
	[dreg:$0x0] =	wrdreg $0x0  }
0x20: {  	s5 =	sshll.u32 s28, $0x1;
	[dreg:$0x2] =	wrdreg s3  }
0x21: {  	[dreg:$0x3] =	wrdreg s5  }
0x22: {  	[dreg:$0x4] =	wrdreg $0xC0  }
0x23: {  	_ =	task [dreg:s7], $0x5FFFF  }
0x24: {  	[dreg:$0x1] =	wrdreg $0xFFFFFFFF  }
0x25: {  	[dreg:$0x0] =	wrdreg $0x60  }
0x26: {  	[dreg:$0x2] =	wrdreg s25  }
0x27: {  	[dreg:$0x3] =	wrdreg s2  }
0x28: {  	[dreg:$0x4] =	wrdreg $0x9  }
0x29: {  	_ =	task.clear_ibuf [dreg:s7], $0x5FFFF;
	_ =	strace $0x90000049  }
0x2a: {  	s29 =	simm.s32 $0x9;
	_ =	strace $0x8000004B  }
0x2b: {  	_ =	swait.ge [sflag:s29], $0x1  }
0x2c: {  	[sflag:s29] =	ssyncadd.s32 $0xFFFFFFFF  }
0x2d: {  	_ =	strace $0x9000004B  }
0x2e: {  	_ =	sfence  }
0x2f: {  	s30 =	sld [smem:$0x0];
	_ =	sdelay $0x2  }
0x30: {  	s31 =	sshll.u32 s1, $0xD;
	s1 =	sshrl.u32 s1, $0x2  }
0x31: {  	s3 =	sand.u32 $0x4000, s31;
	s1 =	sadd.s32 s1, s30  }
0x32: {  	s0 =	sor.u32 s3, s0;
	s1 =	sshll.u32 s1, $0x11  }
0x33: {  	s0 =	sor.u32 s1, s0  }
0x34: {  	s0 =	sadd.s32 $0x8F2B, s0  }
0x35: {  	[sflag:s0] =	ssyncadd.remote.s32 $0x1  }
0x36: {  	_ =	sfence.sel $0xFFFF  }
0x37: {  	[dreg:$0x0] =	wrdreg $0xFFFFFFFF;
	(pc) =	sbr.abs _section_cstart, $3  }
0x38: {  	[dreg:$0x1] =	wrdreg $0xFFFFFFFF  }
0x39: {  	_ =	task.clear_ibuf [dreg:s7], $0x2FFFF;
	_ =	strace $0x9FFFFFFF  }
0x3a: {  	(tm) =	ssettm $0x7FFFFFFF  }
0x3b: {  	_ =	shalt  }
tec
execute0_lowered:
.L_overlay_start_1:
0x0: {  	(tag) =	ssettag $0x1  }
0x1: {  	s0 =	srdreg.scid  }
0x2: {  	s1 =	sshll.u32 s0, $0x4  }
0x3: {  	s0 =	stileid.u32;
	s1 =	sand.u32 $0x10, s1  }
0x4: {  	s1 =	sor.u32 s0, s1  }
0x5: {  	s6 =	rddreg [dreg:$0x0];
	s4 =	simm.s32 $0x1;
	s2 =	sshll.u32 s1, $0x7  }
0x6: {  	s7 =	simm.s32 $0x2;
	s12 =	simm.s32 $0x0;
	s1 =	ssub.s32 $0x1000, s2  }
0x7: {  	s8 =	simm.s32 $0x8000;
	s13 =	simm.s32 $0x0;
	s3 =	sand.u32 $0xF80, s1  }
0x8: {  	s9 =	simm.s32 $0x0;
	s5 =	sshrl.u32 s1, $0xC;
	p0 =	sne.s32 s3, $0x0  }
.Ltmp0:
0x9: {  	s1 =	rddreg [dreg:$0x2];
	s4 =	simm.s32 @!p0 $0x0;
	(pc) =	sbr.rel .LBB1_1-.Ltmp0, $4  }
0xa: {  	s11 =	simm.s32 $0x0;
	s3 =	rddreg [dreg:$0x1];
	s5 =	sadd.s32 s4, s5  }
0xb: {  	_ =	strace $0x8000004A;
	s4 =	simm.s32 $0x1;
	s5 =	smul.u32 $0x32, s5  }
0xc: {  	s6 =	sadd.s32 $0xE00, s6;
	s10 =	smov.u32 s2;
	[sflag:s4] =	ssyncpa.u1 $0x0  }
0xd: {  	p0 =	por $0x0, $0x0;
	[sflag:s7] =	ssyncpa.u1 $0x0;
	s7 =	sor.u32 $0x1, s5  }
.LBB1_4:
0xe: {  	s16 =	sshll.u32 s13, $0x3;
	s17 =	sand.u32 $0x78, s13  }
0xf: {  	s30 =	sand.u32 $0x7E00, s13;
	s12 =	sshll.u32 s12, $0xF;
	s16 =	sand.u32 $0xC00, s16  }
0x10: {  	[tilespmem:s15+$0x810 ss:$0x81] =	vst.msk $0xffff, v2;
	s31 =	sand.u32 $0x7, s13;
	s16 =	sor.u32 s17, s16;
	s17 =	sadd.s32 s3, s30  }
0x11: {  	[tilespmem:s15+$0x1020 ss:$0x81] =	vst.msk $0xffff, v0;
	s13 =	sshll.u32 s31, $0x12;
	s12 =	sadd.s32 s12, s17;
	s16 =	sshrl.u32 s16, $0x3  }
0x12: {  	[tilespmem:s15+$0x0 ss:$0x81] =	vst.msk $0xffff, v1;
	s13 =	sor.u32 $0x400, s13;
	s12 =	sadd.s32 s16, s12  }
0x13: {  	[hbm4b:s12+s13] =	stream.strided.scatter [tilespmem:s14], [sflag:$0x2], $0x2000, s8, s13, $0x20;
	[tilespmem:$0x8080] =	vst v63  }
.LBB1_5:
0x14: {  	s14 =	sadd.s32 $0x1, s9  }
0x15: {  	s12 =	sadd.s32 $0x1000, s10;
	s16 =	smov.u32 s10;
	p2 =	sgt.s32 s14, $0x31  }
0x16: {  	s16 =	smov.u32 @p2 s12  }
0x17: {  	s14 =	simm.s32 @p2 $0x0;
	p2 =	sgt.s32 s16, $0xFFF  }
0x18: {  	s16 =	smov.u32 @p2 s2;
	p2 =	sne.s32 s11, s7  }
.Ltmp1:
0x19: {  	p1 =	slt.u32 s11, $0x2;
	(pc) =	sbr.rel @!p2 .LBB1_6-.Ltmp1, $4  }
0x1a: {  	s15 =	simm.s32 @!p1 $0x2  }
0x1b: {  	s13 =	smov.u32 s10;
	p0 =	por !p0, !p0;
	_ =	swait.ge @!p1 [sflag:s15], $0x2000  }
0x1c: {  	s12 =	smov.u32 s9;
	[sflag:s15] =	ssyncset.done @!p1 $0x0;
	s9 =	smov.u32 s14  }
0x1d: {  	s11 =	sadd.s32 $0x1, s11;
	[sflag:s15] =	ssyncadd.s32 @!p1 $0xFFFFE000;
	s10 =	smov.u32 s16  }
.LBB1_1:
0x1e: {  	p1 =	sge.u32 s11, s5  }
0x1f: {  	s14 =	sand.u32 @!p1 $0x1FFFFFF, s9  }
0x20: {  	s15 =	smulhi.u32 @!p1 $0x4924925, s14;
	_ =	sdelay $0x1  }
0x21: {  	s15 =	smul.u32 @!p1 $0x38, s15  }
0x22: {  	s16 =	sxor.u32 @!p1 $0xFFFFFFFF, s11;
	s17 =	smul.u32 @!p1 $0x380, s10  }
0x23: {  	s31 =	sadd.s32 $0xFFFFFFFF, s11;
	s16 =	sshll.u32 @!p1 s16, $0xD;
	s14 =	ssub.s32 @!p1 s14, s15  }
0x24: {  	s15 =	sand.u32 @!p1 $0x2000, s16;
	s16 =	sadd.s32 @!p1 s6, s17;
	s14 =	sshll.u32 @!p1 s14, $0x4  }
0x25: {  	s17 =	simm.s32 @!p1 $0x1C00;
	s14 =	sadd.s32 @!p1 s14, s16;
	s16 =	simm.s32 @!p1 $0x40  }
0x26: {  	[tilespmem:s15], [sflag:$0x1] =	stream.strided.gather @!p1 [hbm4b:s14+s16], $0x2000, s17, s16, $0x38;
	[tilespmem:$0x8080] =	vst v63  }
0x27: {  	p1 =	sge.u32 s31, s5  }
.Ltmp2:
0x28: {  	_ = 	snop;
	(pc) =	sbr.rel @p1 .LBB1_5-.Ltmp2, $1  }
0x29: {  	_ =	sdelay $0x3  }
0x2a: {  	s14 =	simm.s32 $0x1  }
0x2b: {  	_ =	swait.ge [sflag:s4], $0x2000;
	s14 =	simm.s32 @!p0 $0x0  }
0x2c: {  	[sflag:s4] =	ssyncset.done $0x0;
	s15 =	sshll.u32 s14, $0xD  }
0x2d: {  	[sflag:s4] =	ssyncadd.s32 $0xFFFFE000;
	s18 =	sor.u32 $0x20, s15  }
0x2e: {  	s14 =	smul.u32 $0x8100, s14;
	v3 =	vld [tilespmem:s18+$0x10]  }
0x2f: {  	s30 =	sand.u32 $0x1, s11;
	v2 =	vld [tilespmem:s18+$0xFFFFFFF0]  }
0x30: {  	s15 =	smul.u32 $0x8100, s30;
	s14 =	sshrl.u32 s14, $0x2;
	v0 =	vld [tilespmem:s18+$0x0]  }
0x31: {  	v1 =	vld [tilespmem:s18+$0xFFFFFFE0];
	s16 =	sor.u32 $0x4000, s14  }
0x32: {  	s31 =	sshrl.u32 s15, $0x2;
	s15 =	sadd.s32 $0x0, s16  }
0x33: {  	s17 =	simm.s32 $0x4;
	s18 =	sadd.s32 $0x40, s18;
	s14 =	sor.u32 $0x4000, s31;
	[tilespmem:s15+$0x1830 ss:$0x81] =	vst.msk $0xffff, v3  }
.LBB1_3:
0x34: {  	v3 =	vld [tilespmem:s18+$0x10];
	p1 =	sne.s32 s17, $0x1FC;
	[tilespmem:s15+$0x810 ss:$0x81] =	vst.msk $0xffff, v2;
	s19 =	smov.u32 s17;
	s17 =	sadd.s32 $0x4, s17  }
.Ltmp3:
0x35: {  	v2 =	vld [tilespmem:s18+$0xFFFFFFF0];
	[tilespmem:s15+$0x1020 ss:$0x81] =	vst.msk $0xffff, v0;
	(pc) =	sbr.rel @p1 .LBB1_3-.Ltmp3, $4  }
0x36: {  	v0 =	vld [tilespmem:s18+$0x0];
	[tilespmem:s15+$0x0 ss:$0x81] =	vst.msk $0xffff, v1  }
0x37: {  	s15 =	sshra.s32 s19, $0x2;
	v1 =	vld [tilespmem:s18+$0xFFFFFFE0]  }
0x38: {  	s15 =	sadd.s32 s15, s16  }
0x39: {  	s18 =	sadd.s32 $0x40, s18;
	[tilespmem:s15+$0x1830 ss:$0x81] =	vst.msk $0xffff, v3  }
.Ltmp4:
0x3a: {  	_ = 	snop;
	(pc) =	sbr.rel .LBB1_4-.Ltmp4, $1  }
0x3b: {  	_ =	sdelay $0x3  }
.LBB1_6:
0x3c: {  	_ =	sfence.sel $0x180000  }
0x3d: {  	s2 =	simm.s32 $0x1;
	[bflag:$0x0] =	sbarrier.arrive $0xFFFF  }
0x3e: {  	s31 =	simm.s32 $0x2;
	[sflag:s2] =	ssyncpa.u1 $0x1  }
0x3f: {  	[sflag:s31] =	ssyncpa.u1 $0x1  }
0x40: {  	p0 =	sne.s32 s0, $0x0;
	_ =	strace $0x9000004A  }
0x41: {  	s0 =	sadd.s32 @!p0 $0x100000, s1;
	[bflag:$0x2] =	sbarrier.arrive $0xFFFF  }
0x42: {  	[sflag:s0] =	ssyncadd.tile.s32 @!p0 $0x1;
	_ =	shalt  }
.Lfunc_end1:
_tile_overlayer_lowered:
.L_overlay_start_2:
0x43: {  	(tag) =	ssettag $0x2  }
0x44: {  	s0 =	rddreg [dreg:$0x0];
	s2 =	stileid.u32  }
0x45: {  	s1 =	rddreg [dreg:$0x1];
	p0 =	sne.s32 s2, $0x0  }
0x46: {  	s3 =	rddreg [dreg:$0x2];
	[bflag:$0x3] =	sbarrier.arrive $0xFFFF;
	s2 =	simm.s32 @!p0 $0x1C01  }
0x47: {  	[timem:s3], [sflag:s2] =	dma.local @!p0 [hbm:s0], s1  }
0x48: {  	s0 =	simm.s32 @!p0 $0x1  }
0x49: {  	_ =	swait.ge @!p0 [sflag:s0], s1  }
0x4a: {  	s1 =	ssub.s32 @!p0 $0x0, s1;
	[sflag:s0] =	ssyncset.done @!p0 $0x0  }
0x4b: {  	[sflag:s0] =	ssyncadd.s32 @!p0 s1  }
0x4c: {  	[bflag:$0x3] =	sbarrier.arrive $0xFFFF  }
0x4d: {  	_ =	shalt  }

</sc_bundles>
